<compile_context>
chip_gen: v7x
topology: tpu7x:2x2x1
jax: 0.10.2.dev20260603
libtpu: 0.0.44.dev20260713+nightly
codegen_flags: <defaults>
</compile_context>

<pallas_src>
import functools

import jax
import jax.numpy as jnp
from jax import lax
from jax.experimental import pallas as pl
from jax.experimental.pallas import tpu as pltpu
from jax.experimental.pallas import tpu_sc as plsc

D = 64
L = 50
CT = 8
TOK = CT * L
UNROLL = 5


def _permute(x, idx):
    return lax.gather(
        x, idx[:, None],
        lax.GatherDimensionNumbers(
            offset_dims=(), collapsed_slice_dims=(0,), start_index_map=(0,)),
        slice_sizes=(1,),
        mode=lax.GatherScatterMode.PROMISE_IN_BOUNDS)


def _hsum_all(x, lanes):
    for s in (8, 4, 2, 1):
        x = x + _permute(x, lanes ^ s)
    return x


def _rsqrt(x, iters=2):
    half = x * 0.5
    i = lax.bitcast_convert_type(x, jnp.int32)
    i = 0x5F3759DF - lax.shift_right_logical(i, 1)
    y = lax.bitcast_convert_type(i, jnp.float32)
    for _ in range(iters):
        y = y * (1.5 - half * y * y)
    return y


def kernel(input_ids, attention_mask, W):
    B, N, Lx = input_ids.shape
    T = B * N
    ids_flat = input_ids.reshape(T * L)
    mask_flat = attention_mask.reshape(T * L)

    info = plsc.get_sparse_core_info()
    NC, NS = info.num_cores, info.num_subcores
    NW = NC * NS
    tw_per_w = T // NW
    n_chunks = tw_per_w // CT
    tok_per_w = tw_per_w * L

    mesh = plsc.VectorSubcoreMesh(core_axis_name="c", subcore_axis_name="s")

    @functools.partial(
        pl.kernel,
        mesh=mesh,
        out_type=jax.ShapeDtypeStruct((T, D), jnp.float32),
        scratch_types=[
            pltpu.VMEM((tok_per_w,), jnp.int32),
            pltpu.VMEM((tok_per_w,), jnp.float32),
            pltpu.VMEM((TOK, D), jnp.float32),
            pltpu.VMEM((TOK, D), jnp.float32),
            pltpu.VMEM((CT, D), jnp.float32),
            pltpu.SemaphoreType.DMA,
            pltpu.SemaphoreType.DMA,
        ],
        compiler_params=pltpu.CompilerParams(
            needs_layout_passes=False, use_tc_tiling_on_sc=False,
            disable_bounds_checks=True),
    )
    def sc_kernel(ids_hbm, mask_hbm, w_hbm, out_hbm,
                  ids_v, mask_v, rows0, rows1, out_v, sem0, sem1):
        wid = lax.axis_index("s") * NC + lax.axis_index("c")
        tw0 = wid * tw_per_w
        pltpu.sync_copy(
            ids_hbm.at[pl.ds(pl.multiple_of(wid * tok_per_w, 8), tok_per_w)],
            ids_v)
        pltpu.sync_copy(
            mask_hbm.at[pl.ds(pl.multiple_of(wid * tok_per_w, 8), tok_per_w)],
            mask_v)

        lanes = lax.iota(jnp.int32, 16)
        bufs = (rows0, rows1)
        sems = (sem0, sem1)
        NB = len(bufs)

        def fire(ci, buf, sem):
            pltpu.async_copy(
                w_hbm.at[ids_v.at[pl.ds(ci * TOK, TOK)]], buf, sem)

        def drain(ci, buf, sem):
            pltpu.make_async_copy(
                w_hbm.at[ids_v.at[pl.ds(ci * TOK, TOK)]], buf, sem).wait()

        for b in range(NB - 1):
            fire(b, bufs[b], sems[b])

        def do_chunk(ci, par):
            buf, sem = bufs[par], sems[par]
            nxt_par = (par + NB - 1) % NB
            nxt = jnp.minimum(ci + NB - 1, n_chunks - 1)
            fire(nxt, bufs[nxt_par], sems[nxt_par])
            drain(ci, buf, sem)

            def tweet_body(t, _):
                def tok_group(j, carry):
                    a0, a1, a2, a3 = carry
                    for k in range(UNROLL):
                        row = t * L + j * UNROLL + k
                        v0 = buf[row, pl.ds(0, 16)]
                        v1 = buf[row, pl.ds(16, 16)]
                        v2 = buf[row, pl.ds(32, 16)]
                        v3 = buf[row, pl.ds(48, 16)]
                        p = v0 * v0 + v1 * v1 + v2 * v2 + v3 * v3
                        mv = plsc.load_gather(
                            mask_v,
                            [lax.broadcast(ci * TOK + row, (16,))])
                        r = _rsqrt(_hsum_all(p, lanes), iters=1) * mv
                        a0 = a0 + v0 * r
                        a1 = a1 + v1 * r
                        a2 = a2 + v2 * r
                        a3 = a3 + v3 * r
                    return (a0, a1, a2, a3)

                z = jnp.zeros((16,), jnp.float32)
                a0, a1, a2, a3 = lax.fori_loop(
                    0, L // UNROLL, tok_group, (z, z, z, z))
                mb = ci * TOK + t * L
                m = (mask_v[pl.ds(mb, 16)] + mask_v[pl.ds(mb + 16, 16)]
                     + mask_v[pl.ds(mb + 32, 16)]
                     + jnp.where(lanes >= 14, mask_v[pl.ds(mb + 34, 16)], 0.0))
                sl = _hsum_all(m, lanes)
                inv = jnp.where(sl > 0.0, 1.0 / sl, 0.0)
                out_v[t, pl.ds(0, 16)] = a0 * inv
                out_v[t, pl.ds(16, 16)] = a1 * inv
                out_v[t, pl.ds(32, 16)] = a2 * inv
                out_v[t, pl.ds(48, 16)] = a3 * inv
                return 0

            lax.fori_loop(0, CT, tweet_body, 0)
            pltpu.sync_copy(
                out_v,
                out_hbm.at[pl.ds(pl.multiple_of(tw0 + ci * CT, CT), CT)])

        def quad_body(cq, _):
            for par in range(NB):
                do_chunk(cq * NB + par, par)
            return 0

        lax.fori_loop(0, n_chunks // NB, quad_body, 0)
        for j in range(NB - 1):
            par = (n_chunks + j) % NB
            drain(n_chunks - 1, bufs[par], sems[par])

    out = sc_kernel(ids_flat, mask_flat, W)
    return out.reshape(B, N, D)

# --- scband reference (transcript-rebuilt; emitter-appended) ---
"""Pipeline reference for scband-fast-text-embedder-44813688766469 (READ-ONLY COPY).

The authoritative reference and input builder live on the scoring server;
editing this copy changes nothing except your own understanding.
"""

import jax, jax.numpy as jnp
import numpy as np

VOCAB = 1000000
D = 64
B = 1024
N = 20
L = 50
PAD = 999999


def setup_inputs(seed: int = 0) -> dict:
    key = jax.random.key(seed)
    k1, k2, k3 = jax.random.split(key, 3)
    # input_ids: randint in [0, 999999) so the padding row (999999) is never gathered
    input_ids = jax.random.randint(k1, (B, N, L), 0, 999999, dtype=jnp.int32)
    # attention_mask is float 0/1 (torch module sums it and assigns float('inf'), so it must be float)
    attention_mask = jax.random.randint(k2, (B, N, L), 0, 2, dtype=jnp.int32).astype(jnp.float32)
    # embedding table ~ nn.Embedding default init N(0,1); padding_idx row zeroed
    W = jax.random.normal(k3, (VOCAB, D), dtype=jnp.float32)
    W = W.at[PAD].set(0.0)
    return {"input_ids": input_ids, "attention_mask": attention_mask, "W": W}


def reference(input_ids, attention_mask, W):
    # embedding lookup: [B, N, L, D]
    embedded = jnp.take(W, input_ids, axis=0)
    # per-token L2 norm over feature dim, keepdim -> [B, N, L, 1]
    normW = jnp.linalg.norm(embedded, ord=2, axis=3, keepdims=True)
    mask = attention_mask[..., None] > 0  # [B, N, L, 1]
    # masked_fill_(~mask, inf)
    normW = jnp.where(mask, normW, jnp.inf)
    # unit vectors summed over token dim -> [B, N, D]
    embedded = (embedded / normW).sum(axis=2)
    # number of real tokens per tweet -> [B, N]
    seq_len = attention_mask.sum(axis=2)
    seq_len = jnp.where(seq_len == 0, jnp.inf, seq_len)
    embedded = embedded / seq_len[..., None]
    return embedded

if __name__ == "__main__":
    import jax
    _d = setup_inputs()
    print(jax.jit(kernel)(*tuple(_d.values())))

</pallas_src>

<mosaic_0001>
#map = affine_map<(d0, d1) -> (0)>
#map1 = affine_map<(d0, d1) -> (0, 0)>
module attributes {stable_mosaic.version = 14 : i64} {
  func.func @sc_kernel(%arg0: i32, %arg1: i32, %arg2: memref<1024000xi32, #tpu.memory_space<hbm>>, %arg3: memref<1024000xf32, #tpu.memory_space<hbm>>, %arg4: memref<1000000x64xf32, #tpu.memory_space<hbm>>, %arg5: memref<20480x64xf32, #tpu.memory_space<hbm>>, %arg6: memref<32000xi32, #tpu.memory_space<vmem>>, %arg7: memref<32000xf32, #tpu.memory_space<vmem>>, %arg8: memref<400x64xf32, #tpu.memory_space<vmem>>, %arg9: memref<400x64xf32, #tpu.memory_space<vmem>>, %arg10: memref<8x64xf32, #tpu.memory_space<vmem>>, %arg11: memref<!tpu.dma_semaphore, #tpu.memory_space<semaphore_mem>>, %arg12: memref<!tpu.dma_semaphore, #tpu.memory_space<semaphore_mem>>) attributes {dimension_semantics = [#tpu.dimension_semantics<core_parallel>, #tpu.dimension_semantics<subcore_parallel>], iteration_bounds = array<i64: 2, 16>, scalar_prefetch = 0 : i64, scratch_operands = 7 : i64, tpu.core_type = #tpu.core_type<sc_vector_subcore>, window_params = [{transform_indices = #map}, {transform_indices = #map}, {transform_indices = #map1}, {transform_indices = #map1}]} {
    %mul3A = arith.constant 2 : i32
    %mul3A_0 = arith.muli %arg1, %mul3A : i32
    %add3A = arith.addi %mul3A_0, %arg0 : i32
    %mul3A_1 = arith.constant 640 : i32
    %mul3A_2 = arith.muli %add3A, %mul3A_1 : i32
    %mul3A_3 = arith.constant 32000 : i32
    %mul3A_4 = arith.muli %add3A, %mul3A_3 : i32
    %multiple_of3A = tpu.assume_multiple %mul3A_4, 8 : i32
    "tpu.region"() ({
      %run_scoped3A = tpu.sem_alloc : memref<!tpu.dma_semaphore, #tpu.memory_space<semaphore_mem>>
      %dma_start3A_22 = tpu.memref_slice %arg2[%multiple_of3A] : memref<1024000xi32, #tpu.memory_space<hbm>> -> memref<32000xi32, #tpu.memory_space<hbm>>
      %dma_start3A_23 = tpu.memref_slice %arg2[%multiple_of3A] : memref<1024000xi32, #tpu.memory_space<hbm>> -> memref<32000xi32, #tpu.memory_space<hbm>>
      tpu.enqueue_dma source(%dma_start3A_23 : memref<32000xi32, #tpu.memory_space<hbm>>) target(%arg6 : memref<32000xi32, #tpu.memory_space<vmem>>) target_semaphore(%run_scoped3A : memref<!tpu.dma_semaphore, #tpu.memory_space<semaphore_mem>>)
      %dma_wait3A_24 = tpu.memref_slice %arg2[%multiple_of3A] : memref<1024000xi32, #tpu.memory_space<hbm>> -> memref<32000xi32, #tpu.memory_space<hbm>>
      %dma_wait3A_25 = tpu.memref_slice %arg2[%multiple_of3A] : memref<1024000xi32, #tpu.memory_space<hbm>> -> memref<32000xi32, #tpu.memory_space<hbm>>
      tpu.wait_dma2 semaphore(%run_scoped3A : memref<!tpu.dma_semaphore, #tpu.memory_space<semaphore_mem>>) src(%dma_wait3A_25 : memref<32000xi32, #tpu.memory_space<hbm>>) dst(%arg6 : memref<32000xi32, #tpu.memory_space<vmem>>)
      tpu.yield
    }) : () -> ()
    %mul3A_5 = arith.constant 32000 : i32
    %mul3A_6 = arith.muli %add3A, %mul3A_5 : i32
    %multiple_of3A_7 = tpu.assume_multiple %mul3A_6, 8 : i32
    "tpu.region"() ({
      %run_scoped3A = tpu.sem_alloc : memref<!tpu.dma_semaphore, #tpu.memory_space<semaphore_mem>>
      %dma_start3A_22 = tpu.memref_slice %arg3[%multiple_of3A_7] : memref<1024000xf32, #tpu.memory_space<hbm>> -> memref<32000xf32, #tpu.memory_space<hbm>>
      %dma_start3A_23 = tpu.memref_slice %arg3[%multiple_of3A_7] : memref<1024000xf32, #tpu.memory_space<hbm>> -> memref<32000xf32, #tpu.memory_space<hbm>>
      tpu.enqueue_dma source(%dma_start3A_23 : memref<32000xf32, #tpu.memory_space<hbm>>) target(%arg7 : memref<32000xf32, #tpu.memory_space<vmem>>) target_semaphore(%run_scoped3A : memref<!tpu.dma_semaphore, #tpu.memory_space<semaphore_mem>>)
      %dma_wait3A_24 = tpu.memref_slice %arg3[%multiple_of3A_7] : memref<1024000xf32, #tpu.memory_space<hbm>> -> memref<32000xf32, #tpu.memory_space<hbm>>
      %dma_wait3A_25 = tpu.memref_slice %arg3[%multiple_of3A_7] : memref<1024000xf32, #tpu.memory_space<hbm>> -> memref<32000xf32, #tpu.memory_space<hbm>>
      tpu.wait_dma2 semaphore(%run_scoped3A : memref<!tpu.dma_semaphore, #tpu.memory_space<semaphore_mem>>) src(%dma_wait3A_25 : memref<32000xf32, #tpu.memory_space<hbm>>) dst(%arg7 : memref<32000xf32, #tpu.memory_space<vmem>>)
      tpu.yield
    }) : () -> ()
    %iota3A = tpu.iota {dimensions = array<i32: 0>} : vector<16xi32>
    %dma_start3A = arith.constant 0 : i32
    %dma_start3A_8 = tpu.memref_slice %arg6[%dma_start3A] : memref<32000xi32, #tpu.memory_space<vmem>> -> memref<400xi32, #tpu.memory_space<vmem>>
    %dma_start3A_9 = arith.constant 0 : i32
    %dma_start3A_10 = arith.constant 0 : i32
    %dma_start3A_11 = tpu.memref_slice %arg4[%dma_start3A_9, %dma_start3A_10] : memref<1000000x64xf32, #tpu.memory_space<hbm>> -> memref<1000000x64xf32, #tpu.memory_space<hbm>>
    tpu.enqueue_indirect_dma source(%dma_start3A_11 : memref<1000000x64xf32, #tpu.memory_space<hbm>>) target(%arg8 : memref<400x64xf32, #tpu.memory_space<vmem>>) offsets(%dma_start3A_8 : memref<400xi32, #tpu.memory_space<vmem>>) semaphore(%arg11 : memref<!tpu.dma_semaphore, #tpu.memory_space<semaphore_mem>>)
    %scan3A = arith.constant 0 : i32
    %scan3A_12 = arith.constant 0 : i32
    %scan3A_13 = arith.constant 40 : i32
    %scan3A_14 = arith.addi %scan3A_12, %scan3A_13 : i32
    %scan3A_15 = arith.constant 1 : i32
    %scan3A_16 = scf.for %scan3A_22 = %scan3A_12 to %scan3A_14 step %scan3A_15 iter_args(%scan3A_23 = %scan3A) -> (i32)  : i32 {
      %mul3A_24 = arith.constant 2 : i32
      %mul3A_25 = arith.muli %scan3A_22, %mul3A_24 : i32
      %add3A_26 = arith.constant 0 : i32
      %add3A_27 = arith.addi %mul3A_25, %add3A_26 : i32
      %add3A_28 = arith.constant 2 : i32
      %add3A_29 = arith.addi %add3A_27, %add3A_28 : i32
      %sub3A = arith.constant 1 : i32
      %sub3A_30 = arith.subi %add3A_29, %sub3A : i32
      %min3A = arith.constant 79 : i32
      %min3A_31 = arith.minsi %sub3A_30, %min3A : i32
      %mul3A_32 = arith.constant 400 : i32
      %mul3A_33 = arith.muli %min3A_31, %mul3A_32 : i32
      %dma_start3A_34 = tpu.memref_slice %arg6[%mul3A_33] : memref<32000xi32, #tpu.memory_space<vmem>> -> memref<400xi32, #tpu.memory_space<vmem>>
      %dma_start3A_35 = arith.constant 0 : i32
      %dma_start3A_36 = arith.constant 0 : i32
      %dma_start3A_37 = tpu.memref_slice %arg4[%dma_start3A_35, %dma_start3A_36] : memref<1000000x64xf32, #tpu.memory_space<hbm>> -> memref<1000000x64xf32, #tpu.memory_space<hbm>>
      tpu.enqueue_indirect_dma source(%dma_start3A_37 : memref<1000000x64xf32, #tpu.memory_space<hbm>>) target(%arg9 : memref<400x64xf32, #tpu.memory_space<vmem>>) offsets(%dma_start3A_34 : memref<400xi32, #tpu.memory_space<vmem>>) semaphore(%arg12 : memref<!tpu.dma_semaphore, #tpu.memory_space<semaphore_mem>>)
      %mul3A_38 = arith.constant 400 : i32
      %mul3A_39 = arith.muli %add3A_27, %mul3A_38 : i32
      %dma_wait3A_40 = tpu.memref_slice %arg6[%mul3A_39] : memref<32000xi32, #tpu.memory_space<vmem>> -> memref<400xi32, #tpu.memory_space<vmem>>
      %dma_wait3A_41 = arith.constant 0 : i32
      %dma_wait3A_42 = arith.constant 0 : i32
      %dma_wait3A_43 = tpu.memref_slice %arg4[%dma_wait3A_41, %dma_wait3A_42] : memref<1000000x64xf32, #tpu.memory_space<hbm>> -> memref<1000000x64xf32, #tpu.memory_space<hbm>>
      tpu.wait_indirect_dma semaphore(%arg11 : memref<!tpu.dma_semaphore, #tpu.memory_space<semaphore_mem>>) src(%dma_wait3A_43 : memref<1000000x64xf32, #tpu.memory_space<hbm>>) dst(%arg8 : memref<400x64xf32, #tpu.memory_space<vmem>>)
      %scan3A_44 = arith.constant 0 : i32
      %scan3A_45 = arith.constant 0 : i32
      %scan3A_46 = arith.constant 8 : i32
      %scan3A_47 = arith.addi %scan3A_45, %scan3A_46 : i32
      %scan3A_48 = arith.constant 1 : i32
      %scan3A_49 = scf.for %scan3A_89 = %scan3A_45 to %scan3A_47 step %scan3A_48 iter_args(%scan3A_90 = %scan3A_44) -> (i32)  : i32 {
        %broadcast_in_dim3A = arith.constant 0.000000e+00 : f32
        %broadcast_in_dim3A_91 = vector.broadcast %broadcast_in_dim3A : f32 to vector<16xf32>
        %scan3A_92 = arith.constant 0 : i32
        %scan3A_93 = arith.constant 10 : i32
        %scan3A_94 = arith.addi %scan3A_92, %scan3A_93 : i32
        %scan3A_95 = arith.constant 1 : i32
        %scan3A_96:4 = scf.for %scan3A_171 = %scan3A_92 to %scan3A_94 step %scan3A_95 iter_args(%scan3A_172 = %broadcast_in_dim3A_91, %scan3A_173 = %broadcast_in_dim3A_91, %scan3A_174 = %broadcast_in_dim3A_91, %scan3A_175 = %broadcast_in_dim3A_91) -> (vector<16xf32>, vector<16xf32>, vector<16xf32>, vector<16xf32>)  : i32 {
          %mul3A_176 = arith.constant 50 : i32
          %mul3A_177 = arith.muli %scan3A_89, %mul3A_176 : i32
          %mul3A_178 = arith.constant 5 : i32
          %mul3A_179 = arith.muli %scan3A_171, %mul3A_178 : i32
          %add3A_180 = arith.addi %mul3A_177, %mul3A_179 : i32
          %add3A_181 = arith.constant 0 : i32
          %add3A_182 = arith.addi %add3A_180, %add3A_181 : i32
          %get3A_183 = arith.index_cast %add3A_182 : i32 to index
          %get3A_184 = arith.constant 0 : index
          %get3A_185 = tpu.vector_load %arg8[%get3A_183, %get3A_184] {strides = array<i32>} : memref<400x64xf32, #tpu.memory_space<vmem>>, vector<16xf32>,
          %get3A_186 = arith.index_cast %add3A_182 : i32 to index
          %get3A_187 = arith.constant 16 : index
          %get3A_188 = tpu.vector_load %arg8[%get3A_186, %get3A_187] {strides = array<i32>} : memref<400x64xf32, #tpu.memory_space<vmem>>, vector<16xf32>,
          %get3A_189 = arith.index_cast %add3A_182 : i32 to index
          %get3A_190 = arith.constant 32 : index
          %get3A_191 = tpu.vector_load %arg8[%get3A_189, %get3A_190] {strides = array<i32>} : memref<400x64xf32, #tpu.memory_space<vmem>>, vector<16xf32>,
          %get3A_192 = arith.index_cast %add3A_182 : i32 to index
          %get3A_193 = arith.constant 48 : index
          %get3A_194 = tpu.vector_load %arg8[%get3A_192, %get3A_193] {strides = array<i32>} : memref<400x64xf32, #tpu.memory_space<vmem>>, vector<16xf32>,
          %mul3A_195 = arith.mulf %get3A_185, %get3A_185 : vector<16xf32>
          %mul3A_196 = arith.mulf %get3A_188, %get3A_188 : vector<16xf32>
          %add3A_197 = arith.addf %mul3A_195, %mul3A_196 : vector<16xf32>
          %mul3A_198 = arith.mulf %get3A_191, %get3A_191 : vector<16xf32>
          %add3A_199 = arith.addf %add3A_197, %mul3A_198 : vector<16xf32>
          %mul3A_200 = arith.mulf %get3A_194, %get3A_194 : vector<16xf32>
          %add3A_201 = arith.addf %add3A_199, %mul3A_200 : vector<16xf32>
          %mul3A_202 = arith.constant 400 : i32
          %mul3A_203 = arith.muli %add3A_27, %mul3A_202 : i32
          %add3A_204 = arith.addi %mul3A_203, %add3A_182 : i32
          %broadcast_in_dim3A_205 = vector.broadcast %add3A_204 : i32 to vector<16xi32>
          %gather3A_206 = tpu.vector_load_idx %arg7[%broadcast_in_dim3A_205] : memref<32000xf32, #tpu.memory_space<vmem>>[vector<16xi32>], vector<16xf32>,
          %xor3A_207 = arith.constant 8 : i32
          %xor3A_208 = vector.broadcast %xor3A_207 : i32 to vector<16xi32>
          %xor3A_209 = arith.xori %iota3A, %xor3A_208 : vector<16xi32>
          %broadcast_in_dim3A_210 = vector.shape_cast %xor3A_209 : vector<16xi32> to vector<16x1xi32>
          %gather3A_211 = vector.shape_cast %broadcast_in_dim3A_210 : vector<16x1xi32> to vector<16xi32>
          %gather3A_212 = tpu.dynamic_gather %add3A_201[%gather3A_211] in [0] : vector<16xf32>, vector<16xi32> -> vector<16xf32>
          %add3A_213 = arith.addf %add3A_201, %gather3A_212 : vector<16xf32>
          %xor3A_214 = arith.constant 4 : i32
          %xor3A_215 = vector.broadcast %xor3A_214 : i32 to vector<16xi32>
          %xor3A_216 = arith.xori %iota3A, %xor3A_215 : vector<16xi32>
          %broadcast_in_dim3A_217 = vector.shape_cast %xor3A_216 : vector<16xi32> to vector<16x1xi32>
          %gather3A_218 = vector.shape_cast %broadcast_in_dim3A_217 : vector<16x1xi32> to vector<16xi32>
          %gather3A_219 = tpu.dynamic_gather %add3A_213[%gather3A_218] in [0] : vector<16xf32>, vector<16xi32> -> vector<16xf32>
          %add3A_220 = arith.addf %add3A_213, %gather3A_219 : vector<16xf32>
          %xor3A_221 = arith.constant 2 : i32
          %xor3A_222 = vector.broadcast %xor3A_221 : i32 to vector<16xi32>
          %xor3A_223 = arith.xori %iota3A, %xor3A_222 : vector<16xi32>
          %broadcast_in_dim3A_224 = vector.shape_cast %xor3A_223 : vector<16xi32> to vector<16x1xi32>
          %gather3A_225 = vector.shape_cast %broadcast_in_dim3A_224 : vector<16x1xi32> to vector<16xi32>
          %gather3A_226 = tpu.dynamic_gather %add3A_220[%gather3A_225] in [0] : vector<16xf32>, vector<16xi32> -> vector<16xf32>
          %add3A_227 = arith.addf %add3A_220, %gather3A_226 : vector<16xf32>
          %xor3A_228 = arith.constant 1 : i32
          %xor3A_229 = vector.broadcast %xor3A_228 : i32 to vector<16xi32>
          %xor3A_230 = arith.xori %iota3A, %xor3A_229 : vector<16xi32>
          %broadcast_in_dim3A_231 = vector.shape_cast %xor3A_230 : vector<16xi32> to vector<16x1xi32>
          %gather3A_232 = vector.shape_cast %broadcast_in_dim3A_231 : vector<16x1xi32> to vector<16xi32>
          %gather3A_233 = tpu.dynamic_gather %add3A_227[%gather3A_232] in [0] : vector<16xf32>, vector<16xi32> -> vector<16xf32>
          %add3A_234 = arith.addf %add3A_227, %gather3A_233 : vector<16xf32>
          %mul3A_235 = arith.constant 5.000000e-01 : f32
          %mul3A_236 = vector.broadcast %mul3A_235 : f32 to vector<16xf32>
          %mul3A_237 = arith.mulf %add3A_234, %mul3A_236 : vector<16xf32>
          %bitcast_convert_type3A = tpu.bitcast %add3A_234 : vector<16xf32> -> vector<16xi32>
          %shift_right_logical3A = arith.constant 1 : i32
          %shift_right_logical3A_238 = vector.broadcast %shift_right_logical3A : i32 to vector<16xi32>
          %shift_right_logical3A_239 = arith.shrui %bitcast_convert_type3A, %shift_right_logical3A_238 : vector<16xi32>
          %sub3A_240 = arith.constant 1597463007 : i32
          %sub3A_241 = vector.broadcast %sub3A_240 : i32 to vector<16xi32>
          %sub3A_242 = arith.subi %sub3A_241, %shift_right_logical3A_239 : vector<16xi32>
          %bitcast_convert_type3A_243 = tpu.bitcast %sub3A_242 : vector<16xi32> -> vector<16xf32>
          %mul3A_244 = arith.mulf %mul3A_237, %bitcast_convert_type3A_243 : vector<16xf32>
          %mul3A_245 = arith.mulf %mul3A_244, %bitcast_convert_type3A_243 : vector<16xf32>
          %sub3A_246 = arith.constant 1.500000e+00 : f32
          %sub3A_247 = vector.broadcast %sub3A_246 : f32 to vector<16xf32>
          %sub3A_248 = arith.subf %sub3A_247, %mul3A_245 : vector<16xf32>
          %mul3A_249 = arith.mulf %bitcast_convert_type3A_243, %sub3A_248 : vector<16xf32>
          %mul3A_250 = arith.mulf %mul3A_249, %gather3A_206 : vector<16xf32>
          %mul3A_251 = arith.mulf %get3A_185, %mul3A_250 : vector<16xf32>
          %add3A_252 = arith.addf %scan3A_172, %mul3A_251 : vector<16xf32>
          %mul3A_253 = arith.mulf %get3A_188, %mul3A_250 : vector<16xf32>
          %add3A_254 = arith.addf %scan3A_173, %mul3A_253 : vector<16xf32>
          %mul3A_255 = arith.mulf %get3A_191, %mul3A_250 : vector<16xf32>
          %add3A_256 = arith.addf %scan3A_174, %mul3A_255 : vector<16xf32>
          %mul3A_257 = arith.mulf %get3A_194, %mul3A_250 : vector<16xf32>
          %add3A_258 = arith.addf %scan3A_175, %mul3A_257 : vector<16xf32>
          %mul3A_259 = arith.constant 50 : i32
          %mul3A_260 = arith.muli %scan3A_89, %mul3A_259 : i32
          %mul3A_261 = arith.constant 5 : i32
          %mul3A_262 = arith.muli %scan3A_171, %mul3A_261 : i32
          %add3A_263 = arith.addi %mul3A_260, %mul3A_262 : i32
          %add3A_264 = arith.constant 1 : i32
          %add3A_265 = arith.addi %add3A_263, %add3A_264 : i32
          %get3A_266 = arith.index_cast %add3A_265 : i32 to index
          %get3A_267 = arith.constant 0 : index
          %get3A_268 = tpu.vector_load %arg8[%get3A_266, %get3A_267] {strides = array<i32>} : memref<400x64xf32, #tpu.memory_space<vmem>>, vector<16xf32>,
          %get3A_269 = arith.index_cast %add3A_265 : i32 to index
          %get3A_270 = arith.constant 16 : index
          %get3A_271 = tpu.vector_load %arg8[%get3A_269, %get3A_270] {strides = array<i32>} : memref<400x64xf32, #tpu.memory_space<vmem>>, vector<16xf32>,
          %get3A_272 = arith.index_cast %add3A_265 : i32 to index
          %get3A_273 = arith.constant 32 : index
          %get3A_274 = tpu.vector_load %arg8[%get3A_272, %get3A_273] {strides = array<i32>} : memref<400x64xf32, #tpu.memory_space<vmem>>, vector<16xf32>,
          %get3A_275 = arith.index_cast %add3A_265 : i32 to index
          %get3A_276 = arith.constant 48 : index
          %get3A_277 = tpu.vector_load %arg8[%get3A_275, %get3A_276] {strides = array<i32>} : memref<400x64xf32, #tpu.memory_space<vmem>>, vector<16xf32>,
          %mul3A_278 = arith.mulf %get3A_268, %get3A_268 : vector<16xf32>
          %mul3A_279 = arith.mulf %get3A_271, %get3A_271 : vector<16xf32>
          %add3A_280 = arith.addf %mul3A_278, %mul3A_279 : vector<16xf32>
          %mul3A_281 = arith.mulf %get3A_274, %get3A_274 : vector<16xf32>
          %add3A_282 = arith.addf %add3A_280, %mul3A_281 : vector<16xf32>
          %mul3A_283 = arith.mulf %get3A_277, %get3A_277 : vector<16xf32>
          %add3A_284 = arith.addf %add3A_282, %mul3A_283 : vector<16xf32>
          %mul3A_285 = arith.constant 400 : i32
          %mul3A_286 = arith.muli %add3A_27, %mul3A_285 : i32
          %add3A_287 = arith.addi %mul3A_286, %add3A_265 : i32
          %broadcast_in_dim3A_288 = vector.broadcast %add3A_287 : i32 to vector<16xi32>
          %gather3A_289 = tpu.vector_load_idx %arg7[%broadcast_in_dim3A_288] : memref<32000xf32, #tpu.memory_space<vmem>>[vector<16xi32>], vector<16xf32>,
          %xor3A_290 = arith.constant 8 : i32
          %xor3A_291 = vector.broadcast %xor3A_290 : i32 to vector<16xi32>
          %xor3A_292 = arith.xori %iota3A, %xor3A_291 : vector<16xi32>
          %broadcast_in_dim3A_293 = vector.shape_cast %xor3A_292 : vector<16xi32> to vector<16x1xi32>
          %gather3A_294 = vector.shape_cast %broadcast_in_dim3A_293 : vector<16x1xi32> to vector<16xi32>
          %gather3A_295 = tpu.dynamic_gather %add3A_284[%gather3A_294] in [0] : vector<16xf32>, vector<16xi32> -> vector<16xf32>
          %add3A_296 = arith.addf %add3A_284, %gather3A_295 : vector<16xf32>
          %xor3A_297 = arith.constant 4 : i32
          %xor3A_298 = vector.broadcast %xor3A_297 : i32 to vector<16xi32>
          %xor3A_299 = arith.xori %iota3A, %xor3A_298 : vector<16xi32>
          %broadcast_in_dim3A_300 = vector.shape_cast %xor3A_299 : vector<16xi32> to vector<16x1xi32>
          %gather3A_301 = vector.shape_cast %broadcast_in_dim3A_300 : vector<16x1xi32> to vector<16xi32>
          %gather3A_302 = tpu.dynamic_gather %add3A_296[%gather3A_301] in [0] : vector<16xf32>, vector<16xi32> -> vector<16xf32>
          %add3A_303 = arith.addf %add3A_296, %gather3A_302 : vector<16xf32>
          %xor3A_304 = arith.constant 2 : i32
          %xor3A_305 = vector.broadcast %xor3A_304 : i32 to vector<16xi32>
          %xor3A_306 = arith.xori %iota3A, %xor3A_305 : vector<16xi32>
          %broadcast_in_dim3A_307 = vector.shape_cast %xor3A_306 : vector<16xi32> to vector<16x1xi32>
          %gather3A_308 = vector.shape_cast %broadcast_in_dim3A_307 : vector<16x1xi32> to vector<16xi32>
          %gather3A_309 = tpu.dynamic_gather %add3A_303[%gather3A_308] in [0] : vector<16xf32>, vector<16xi32> -> vector<16xf32>
          %add3A_310 = arith.addf %add3A_303, %gather3A_309 : vector<16xf32>
          %xor3A_311 = arith.constant 1 : i32
          %xor3A_312 = vector.broadcast %xor3A_311 : i32 to vector<16xi32>
          %xor3A_313 = arith.xori %iota3A, %xor3A_312 : vector<16xi32>
          %broadcast_in_dim3A_314 = vector.shape_cast %xor3A_313 : vector<16xi32> to vector<16x1xi32>
          %gather3A_315 = vector.shape_cast %broadcast_in_dim3A_314 : vector<16x1xi32> to vector<16xi32>
          %gather3A_316 = tpu.dynamic_gather %add3A_310[%gather3A_315] in [0] : vector<16xf32>, vector<16xi32> -> vector<16xf32>
          %add3A_317 = arith.addf %add3A_310, %gather3A_316 : vector<16xf32>
          %mul3A_318 = arith.constant 5.000000e-01 : f32
          %mul3A_319 = vector.broadcast %mul3A_318 : f32 to vector<16xf32>
          %mul3A_320 = arith.mulf %add3A_317, %mul3A_319 : vector<16xf32>
          %bitcast_convert_type3A_321 = tpu.bitcast %add3A_317 : vector<16xf32> -> vector<16xi32>
          %shift_right_logical3A_322 = arith.constant 1 : i32
          %shift_right_logical3A_323 = vector.broadcast %shift_right_logical3A_322 : i32 to vector<16xi32>
          %shift_right_logical3A_324 = arith.shrui %bitcast_convert_type3A_321, %shift_right_logical3A_323 : vector<16xi32>
          %sub3A_325 = arith.constant 1597463007 : i32
          %sub3A_326 = vector.broadcast %sub3A_325 : i32 to vector<16xi32>
          %sub3A_327 = arith.subi %sub3A_326, %shift_right_logical3A_324 : vector<16xi32>
          %bitcast_convert_type3A_328 = tpu.bitcast %sub3A_327 : vector<16xi32> -> vector<16xf32>
          %mul3A_329 = arith.mulf %mul3A_320, %bitcast_convert_type3A_328 : vector<16xf32>
          %mul3A_330 = arith.mulf %mul3A_329, %bitcast_convert_type3A_328 : vector<16xf32>
          %sub3A_331 = arith.constant 1.500000e+00 : f32
          %sub3A_332 = vector.broadcast %sub3A_331 : f32 to vector<16xf32>
          %sub3A_333 = arith.subf %sub3A_332, %mul3A_330 : vector<16xf32>
          %mul3A_334 = arith.mulf %bitcast_convert_type3A_328, %sub3A_333 : vector<16xf32>
          %mul3A_335 = arith.mulf %mul3A_334, %gather3A_289 : vector<16xf32>
          %mul3A_336 = arith.mulf %get3A_268, %mul3A_335 : vector<16xf32>
          %add3A_337 = arith.addf %add3A_252, %mul3A_336 : vector<16xf32>
          %mul3A_338 = arith.mulf %get3A_271, %mul3A_335 : vector<16xf32>
          %add3A_339 = arith.addf %add3A_254, %mul3A_338 : vector<16xf32>
          %mul3A_340 = arith.mulf %get3A_274, %mul3A_335 : vector<16xf32>
          %add3A_341 = arith.addf %add3A_256, %mul3A_340 : vector<16xf32>
          %mul3A_342 = arith.mulf %get3A_277, %mul3A_335 : vector<16xf32>
          %add3A_343 = arith.addf %add3A_258, %mul3A_342 : vector<16xf32>
          %mul3A_344 = arith.constant 50 : i32
          %mul3A_345 = arith.muli %scan3A_89, %mul3A_344 : i32
          %mul3A_346 = arith.constant 5 : i32
          %mul3A_347 = arith.muli %scan3A_171, %mul3A_346 : i32
          %add3A_348 = arith.addi %mul3A_345, %mul3A_347 : i32
          %add3A_349 = arith.constant 2 : i32
          %add3A_350 = arith.addi %add3A_348, %add3A_349 : i32
          %get3A_351 = arith.index_cast %add3A_350 : i32 to index
          %get3A_352 = arith.constant 0 : index
          %get3A_353 = tpu.vector_load %arg8[%get3A_351, %get3A_352] {strides = array<i32>} : memref<400x64xf32, #tpu.memory_space<vmem>>, vector<16xf32>,
          %get3A_354 = arith.index_cast %add3A_350 : i32 to index
          %get3A_355 = arith.constant 16 : index
          %get3A_356 = tpu.vector_load %arg8[%get3A_354, %get3A_355] {strides = array<i32>} : memref<400x64xf32, #tpu.memory_space<vmem>>, vector<16xf32>,
          %get3A_357 = arith.index_cast %add3A_350 : i32 to index
          %get3A_358 = arith.constant 32 : index
          %get3A_359 = tpu.vector_load %arg8[%get3A_357, %get3A_358] {strides = array<i32>} : memref<400x64xf32, #tpu.memory_space<vmem>>, vector<16xf32>,
          %get3A_360 = arith.index_cast %add3A_350 : i32 to index
          %get3A_361 = arith.constant 48 : index
          %get3A_362 = tpu.vector_load %arg8[%get3A_360, %get3A_361] {strides = array<i32>} : memref<400x64xf32, #tpu.memory_space<vmem>>, vector<16xf32>,
          %mul3A_363 = arith.mulf %get3A_353, %get3A_353 : vector<16xf32>
          %mul3A_364 = arith.mulf %get3A_356, %get3A_356 : vector<16xf32>
          %add3A_365 = arith.addf %mul3A_363, %mul3A_364 : vector<16xf32>
          %mul3A_366 = arith.mulf %get3A_359, %get3A_359 : vector<16xf32>
          %add3A_367 = arith.addf %add3A_365, %mul3A_366 : vector<16xf32>
          %mul3A_368 = arith.mulf %get3A_362, %get3A_362 : vector<16xf32>
          %add3A_369 = arith.addf %add3A_367, %mul3A_368 : vector<16xf32>
          %mul3A_370 = arith.constant 400 : i32
          %mul3A_371 = arith.muli %add3A_27, %mul3A_370 : i32
          %add3A_372 = arith.addi %mul3A_371, %add3A_350 : i32
          %broadcast_in_dim3A_373 = vector.broadcast %add3A_372 : i32 to vector<16xi32>
          %gather3A_374 = tpu.vector_load_idx %arg7[%broadcast_in_dim3A_373] : memref<32000xf32, #tpu.memory_space<vmem>>[vector<16xi32>], vector<16xf32>,
          %xor3A_375 = arith.constant 8 : i32
          %xor3A_376 = vector.broadcast %xor3A_375 : i32 to vector<16xi32>
          %xor3A_377 = arith.xori %iota3A, %xor3A_376 : vector<16xi32>
          %broadcast_in_dim3A_378 = vector.shape_cast %xor3A_377 : vector<16xi32> to vector<16x1xi32>
          %gather3A_379 = vector.shape_cast %broadcast_in_dim3A_378 : vector<16x1xi32> to vector<16xi32>
          %gather3A_380 = tpu.dynamic_gather %add3A_369[%gather3A_379] in [0] : vector<16xf32>, vector<16xi32> -> vector<16xf32>
          %add3A_381 = arith.addf %add3A_369, %gather3A_380 : vector<16xf32>
          %xor3A_382 = arith.constant 4 : i32
          %xor3A_383 = vector.broadcast %xor3A_382 : i32 to vector<16xi32>
          %xor3A_384 = arith.xori %iota3A, %xor3A_383 : vector<16xi32>
          %broadcast_in_dim3A_385 = vector.shape_cast %xor3A_384 : vector<16xi32> to vector<16x1xi32>
          %gather3A_386 = vector.shape_cast %broadcast_in_dim3A_385 : vector<16x1xi32> to vector<16xi32>
          %gather3A_387 = tpu.dynamic_gather %add3A_381[%gather3A_386] in [0] : vector<16xf32>, vector<16xi32> -> vector<16xf32>
          %add3A_388 = arith.addf %add3A_381, %gather3A_387 : vector<16xf32>
          %xor3A_389 = arith.constant 2 : i32
          %xor3A_390 = vector.broadcast %xor3A_389 : i32 to vector<16xi32>
          %xor3A_391 = arith.xori %iota3A, %xor3A_390 : vector<16xi32>
          %broadcast_in_dim3A_392 = vector.shape_cast %xor3A_391 : vector<16xi32> to vector<16x1xi32>
          %gather3A_393 = vector.shape_cast %broadcast_in_dim3A_392 : vector<16x1xi32> to vector<16xi32>
          %gather3A_394 = tpu.dynamic_gather %add3A_388[%gather3A_393] in [0] : vector<16xf32>, vector<16xi32> -> vector<16xf32>
          %add3A_395 = arith.addf %add3A_388, %gather3A_394 : vector<16xf32>
          %xor3A_396 = arith.constant 1 : i32
          %xor3A_397 = vector.broadcast %xor3A_396 : i32 to vector<16xi32>
          %xor3A_398 = arith.xori %iota3A, %xor3A_397 : vector<16xi32>
          %broadcast_in_dim3A_399 = vector.shape_cast %xor3A_398 : vector<16xi32> to vector<16x1xi32>
          %gather3A_400 = vector.shape_cast %broadcast_in_dim3A_399 : vector<16x1xi32> to vector<16xi32>
          %gather3A_401 = tpu.dynamic_gather %add3A_395[%gather3A_400] in [0] : vector<16xf32>, vector<16xi32> -> vector<16xf32>
          %add3A_402 = arith.addf %add3A_395, %gather3A_401 : vector<16xf32>
          %mul3A_403 = arith.constant 5.000000e-01 : f32
          %mul3A_404 = vector.broadcast %mul3A_403 : f32 to vector<16xf32>
          %mul3A_405 = arith.mulf %add3A_402, %mul3A_404 : vector<16xf32>
          %bitcast_convert_type3A_406 = tpu.bitcast %add3A_402 : vector<16xf32> -> vector<16xi32>
          %shift_right_logical3A_407 = arith.constant 1 : i32
          %shift_right_logical3A_408 = vector.broadcast %shift_right_logical3A_407 : i32 to vector<16xi32>
          %shift_right_logical3A_409 = arith.shrui %bitcast_convert_type3A_406, %shift_right_logical3A_408 : vector<16xi32>
          %sub3A_410 = arith.constant 1597463007 : i32
          %sub3A_411 = vector.broadcast %sub3A_410 : i32 to vector<16xi32>
          %sub3A_412 = arith.subi %sub3A_411, %shift_right_logical3A_409 : vector<16xi32>
          %bitcast_convert_type3A_413 = tpu.bitcast %sub3A_412 : vector<16xi32> -> vector<16xf32>
          %mul3A_414 = arith.mulf %mul3A_405, %bitcast_convert_type3A_413 : vector<16xf32>
          %mul3A_415 = arith.mulf %mul3A_414, %bitcast_convert_type3A_413 : vector<16xf32>
          %sub3A_416 = arith.constant 1.500000e+00 : f32
          %sub3A_417 = vector.broadcast %sub3A_416 : f32 to vector<16xf32>
          %sub3A_418 = arith.subf %sub3A_417, %mul3A_415 : vector<16xf32>
          %mul3A_419 = arith.mulf %bitcast_convert_type3A_413, %sub3A_418 : vector<16xf32>
          %mul3A_420 = arith.mulf %mul3A_419, %gather3A_374 : vector<16xf32>
          %mul3A_421 = arith.mulf %get3A_353, %mul3A_420 : vector<16xf32>
          %add3A_422 = arith.addf %add3A_337, %mul3A_421 : vector<16xf32>
          %mul3A_423 = arith.mulf %get3A_356, %mul3A_420 : vector<16xf32>
          %add3A_424 = arith.addf %add3A_339, %mul3A_423 : vector<16xf32>
          %mul3A_425 = arith.mulf %get3A_359, %mul3A_420 : vector<16xf32>
          %add3A_426 = arith.addf %add3A_341, %mul3A_425 : vector<16xf32>
          %mul3A_427 = arith.mulf %get3A_362, %mul3A_420 : vector<16xf32>
          %add3A_428 = arith.addf %add3A_343, %mul3A_427 : vector<16xf32>
          %mul3A_429 = arith.constant 50 : i32
          %mul3A_430 = arith.muli %scan3A_89, %mul3A_429 : i32
          %mul3A_431 = arith.constant 5 : i32
          %mul3A_432 = arith.muli %scan3A_171, %mul3A_431 : i32
          %add3A_433 = arith.addi %mul3A_430, %mul3A_432 : i32
          %add3A_434 = arith.constant 3 : i32
          %add3A_435 = arith.addi %add3A_433, %add3A_434 : i32
          %get3A_436 = arith.index_cast %add3A_435 : i32 to index
          %get3A_437 = arith.constant 0 : index
          %get3A_438 = tpu.vector_load %arg8[%get3A_436, %get3A_437] {strides = array<i32>} : memref<400x64xf32, #tpu.memory_space<vmem>>, vector<16xf32>,
          %get3A_439 = arith.index_cast %add3A_435 : i32 to index
          %get3A_440 = arith.constant 16 : index
          %get3A_441 = tpu.vector_load %arg8[%get3A_439, %get3A_440] {strides = array<i32>} : memref<400x64xf32, #tpu.memory_space<vmem>>, vector<16xf32>,
          %get3A_442 = arith.index_cast %add3A_435 : i32 to index
          %get3A_443 = arith.constant 32 : index
          %get3A_444 = tpu.vector_load %arg8[%get3A_442, %get3A_443] {strides = array<i32>} : memref<400x64xf32, #tpu.memory_space<vmem>>, vector<16xf32>,
          %get3A_445 = arith.index_cast %add3A_435 : i32 to index
          %get3A_446 = arith.constant 48 : index
          %get3A_447 = tpu.vector_load %arg8[%get3A_445, %get3A_446] {strides = array<i32>} : memref<400x64xf32, #tpu.memory_space<vmem>>, vector<16xf32>,
          %mul3A_448 = arith.mulf %get3A_438, %get3A_438 : vector<16xf32>
          %mul3A_449 = arith.mulf %get3A_441, %get3A_441 : vector<16xf32>
          %add3A_450 = arith.addf %mul3A_448, %mul3A_449 : vector<16xf32>
          %mul3A_451 = arith.mulf %get3A_444, %get3A_444 : vector<16xf32>
          %add3A_452 = arith.addf %add3A_450, %mul3A_451 : vector<16xf32>
          %mul3A_453 = arith.mulf %get3A_447, %get3A_447 : vector<16xf32>
          %add3A_454 = arith.addf %add3A_452, %mul3A_453 : vector<16xf32>
          %mul3A_455 = arith.constant 400 : i32
          %mul3A_456 = arith.muli %add3A_27, %mul3A_455 : i32
          %add3A_457 = arith.addi %mul3A_456, %add3A_435 : i32
          %broadcast_in_dim3A_458 = vector.broadcast %add3A_457 : i32 to vector<16xi32>
          %gather3A_459 = tpu.vector_load_idx %arg7[%broadcast_in_dim3A_458] : memref<32000xf32, #tpu.memory_space<vmem>>[vector<16xi32>], vector<16xf32>,
          %xor3A_460 = arith.constant 8 : i32
          %xor3A_461 = vector.broadcast %xor3A_460 : i32 to vector<16xi32>
          %xor3A_462 = arith.xori %iota3A, %xor3A_461 : vector<16xi32>
          %broadcast_in_dim3A_463 = vector.shape_cast %xor3A_462 : vector<16xi32> to vector<16x1xi32>
          %gather3A_464 = vector.shape_cast %broadcast_in_dim3A_463 : vector<16x1xi32> to vector<16xi32>
          %gather3A_465 = tpu.dynamic_gather %add3A_454[%gather3A_464] in [0] : vector<16xf32>, vector<16xi32> -> vector<16xf32>
          %add3A_466 = arith.addf %add3A_454, %gather3A_465 : vector<16xf32>
          %xor3A_467 = arith.constant 4 : i32
          %xor3A_468 = vector.broadcast %xor3A_467 : i32 to vector<16xi32>
          %xor3A_469 = arith.xori %iota3A, %xor3A_468 : vector<16xi32>
          %broadcast_in_dim3A_470 = vector.shape_cast %xor3A_469 : vector<16xi32> to vector<16x1xi32>
          %gather3A_471 = vector.shape_cast %broadcast_in_dim3A_470 : vector<16x1xi32> to vector<16xi32>
          %gather3A_472 = tpu.dynamic_gather %add3A_466[%gather3A_471] in [0] : vector<16xf32>, vector<16xi32> -> vector<16xf32>
          %add3A_473 = arith.addf %add3A_466, %gather3A_472 : vector<16xf32>
          %xor3A_474 = arith.constant 2 : i32
          %xor3A_475 = vector.broadcast %xor3A_474 : i32 to vector<16xi32>
          %xor3A_476 = arith.xori %iota3A, %xor3A_475 : vector<16xi32>
          %broadcast_in_dim3A_477 = vector.shape_cast %xor3A_476 : vector<16xi32> to vector<16x1xi32>
          %gather3A_478 = vector.shape_cast %broadcast_in_dim3A_477 : vector<16x1xi32> to vector<16xi32>
          %gather3A_479 = tpu.dynamic_gather %add3A_473[%gather3A_478] in [0] : vector<16xf32>, vector<16xi32> -> vector<16xf32>
          %add3A_480 = arith.addf %add3A_473, %gather3A_479 : vector<16xf32>
          %xor3A_481 = arith.constant 1 : i32
          %xor3A_482 = vector.broadcast %xor3A_481 : i32 to vector<16xi32>
          %xor3A_483 = arith.xori %iota3A, %xor3A_482 : vector<16xi32>
          %broadcast_in_dim3A_484 = vector.shape_cast %xor3A_483 : vector<16xi32> to vector<16x1xi32>
          %gather3A_485 = vector.shape_cast %broadcast_in_dim3A_484 : vector<16x1xi32> to vector<16xi32>
          %gather3A_486 = tpu.dynamic_gather %add3A_480[%gather3A_485] in [0] : vector<16xf32>, vector<16xi32> -> vector<16xf32>
          %add3A_487 = arith.addf %add3A_480, %gather3A_486 : vector<16xf32>
          %mul3A_488 = arith.constant 5.000000e-01 : f32
          %mul3A_489 = vector.broadcast %mul3A_488 : f32 to vector<16xf32>
          %mul3A_490 = arith.mulf %add3A_487, %mul3A_489 : vector<16xf32>
          %bitcast_convert_type3A_491 = tpu.bitcast %add3A_487 : vector<16xf32> -> vector<16xi32>
          %shift_right_logical3A_492 = arith.constant 1 : i32
          %shift_right_logical3A_493 = vector.broadcast %shift_right_logical3A_492 : i32 to vector<16xi32>
          %shift_right_logical3A_494 = arith.shrui %bitcast_convert_type3A_491, %shift_right_logical3A_493 : vector<16xi32>
          %sub3A_495 = arith.constant 1597463007 : i32
          %sub3A_496 = vector.broadcast %sub3A_495 : i32 to vector<16xi32>
          %sub3A_497 = arith.subi %sub3A_496, %shift_right_logical3A_494 : vector<16xi32>
          %bitcast_convert_type3A_498 = tpu.bitcast %sub3A_497 : vector<16xi32> -> vector<16xf32>
          %mul3A_499 = arith.mulf %mul3A_490, %bitcast_convert_type3A_498 : vector<16xf32>
          %mul3A_500 = arith.mulf %mul3A_499, %bitcast_convert_type3A_498 : vector<16xf32>
          %sub3A_501 = arith.constant 1.500000e+00 : f32
          %sub3A_502 = vector.broadcast %sub3A_501 : f32 to vector<16xf32>
          %sub3A_503 = arith.subf %sub3A_502, %mul3A_500 : vector<16xf32>
          %mul3A_504 = arith.mulf %bitcast_convert_type3A_498, %sub3A_503 : vector<16xf32>
          %mul3A_505 = arith.mulf %mul3A_504, %gather3A_459 : vector<16xf32>
          %mul3A_506 = arith.mulf %get3A_438, %mul3A_505 : vector<16xf32>
          %add3A_507 = arith.addf %add3A_422, %mul3A_506 : vector<16xf32>
          %mul3A_508 = arith.mulf %get3A_441, %mul3A_505 : vector<16xf32>
          %add3A_509 = arith.addf %add3A_424, %mul3A_508 : vector<16xf32>
          %mul3A_510 = arith.mulf %get3A_444, %mul3A_505 : vector<16xf32>
          %add3A_511 = arith.addf %add3A_426, %mul3A_510 : vector<16xf32>
          %mul3A_512 = arith.mulf %get3A_447, %mul3A_505 : vector<16xf32>
          %add3A_513 = arith.addf %add3A_428, %mul3A_512 : vector<16xf32>
          %mul3A_514 = arith.constant 50 : i32
          %mul3A_515 = arith.muli %scan3A_89, %mul3A_514 : i32
          %mul3A_516 = arith.constant 5 : i32
          %mul3A_517 = arith.muli %scan3A_171, %mul3A_516 : i32
          %add3A_518 = arith.addi %mul3A_515, %mul3A_517 : i32
          %add3A_519 = arith.constant 4 : i32
          %add3A_520 = arith.addi %add3A_518, %add3A_519 : i32
          %get3A_521 = arith.index_cast %add3A_520 : i32 to index
          %get3A_522 = arith.constant 0 : index
          %get3A_523 = tpu.vector_load %arg8[%get3A_521, %get3A_522] {strides = array<i32>} : memref<400x64xf32, #tpu.memory_space<vmem>>, vector<16xf32>,
          %get3A_524 = arith.index_cast %add3A_520 : i32 to index
          %get3A_525 = arith.constant 16 : index
          %get3A_526 = tpu.vector_load %arg8[%get3A_524, %get3A_525] {strides = array<i32>} : memref<400x64xf32, #tpu.memory_space<vmem>>, vector<16xf32>,
          %get3A_527 = arith.index_cast %add3A_520 : i32 to index
          %get3A_528 = arith.constant 32 : index
          %get3A_529 = tpu.vector_load %arg8[%get3A_527, %get3A_528] {strides = array<i32>} : memref<400x64xf32, #tpu.memory_space<vmem>>, vector<16xf32>,
          %get3A_530 = arith.index_cast %add3A_520 : i32 to index
          %get3A_531 = arith.constant 48 : index
          %get3A_532 = tpu.vector_load %arg8[%get3A_530, %get3A_531] {strides = array<i32>} : memref<400x64xf32, #tpu.memory_space<vmem>>, vector<16xf32>,
          %mul3A_533 = arith.mulf %get3A_523, %get3A_523 : vector<16xf32>
          %mul3A_534 = arith.mulf %get3A_526, %get3A_526 : vector<16xf32>
          %add3A_535 = arith.addf %mul3A_533, %mul3A_534 : vector<16xf32>
          %mul3A_536 = arith.mulf %get3A_529, %get3A_529 : vector<16xf32>
          %add3A_537 = arith.addf %add3A_535, %mul3A_536 : vector<16xf32>
          %mul3A_538 = arith.mulf %get3A_532, %get3A_532 : vector<16xf32>
          %add3A_539 = arith.addf %add3A_537, %mul3A_538 : vector<16xf32>
          %mul3A_540 = arith.constant 400 : i32
          %mul3A_541 = arith.muli %add3A_27, %mul3A_540 : i32
          %add3A_542 = arith.addi %mul3A_541, %add3A_520 : i32
          %broadcast_in_dim3A_543 = vector.broadcast %add3A_542 : i32 to vector<16xi32>
          %gather3A_544 = tpu.vector_load_idx %arg7[%broadcast_in_dim3A_543] : memref<32000xf32, #tpu.memory_space<vmem>>[vector<16xi32>], vector<16xf32>,
          %xor3A_545 = arith.constant 8 : i32
          %xor3A_546 = vector.broadcast %xor3A_545 : i32 to vector<16xi32>
          %xor3A_547 = arith.xori %iota3A, %xor3A_546 : vector<16xi32>
          %broadcast_in_dim3A_548 = vector.shape_cast %xor3A_547 : vector<16xi32> to vector<16x1xi32>
          %gather3A_549 = vector.shape_cast %broadcast_in_dim3A_548 : vector<16x1xi32> to vector<16xi32>
          %gather3A_550 = tpu.dynamic_gather %add3A_539[%gather3A_549] in [0] : vector<16xf32>, vector<16xi32> -> vector<16xf32>
          %add3A_551 = arith.addf %add3A_539, %gather3A_550 : vector<16xf32>
          %xor3A_552 = arith.constant 4 : i32
          %xor3A_553 = vector.broadcast %xor3A_552 : i32 to vector<16xi32>
          %xor3A_554 = arith.xori %iota3A, %xor3A_553 : vector<16xi32>
          %broadcast_in_dim3A_555 = vector.shape_cast %xor3A_554 : vector<16xi32> to vector<16x1xi32>
          %gather3A_556 = vector.shape_cast %broadcast_in_dim3A_555 : vector<16x1xi32> to vector<16xi32>
          %gather3A_557 = tpu.dynamic_gather %add3A_551[%gather3A_556] in [0] : vector<16xf32>, vector<16xi32> -> vector<16xf32>
          %add3A_558 = arith.addf %add3A_551, %gather3A_557 : vector<16xf32>
          %xor3A_559 = arith.constant 2 : i32
          %xor3A_560 = vector.broadcast %xor3A_559 : i32 to vector<16xi32>
          %xor3A_561 = arith.xori %iota3A, %xor3A_560 : vector<16xi32>
          %broadcast_in_dim3A_562 = vector.shape_cast %xor3A_561 : vector<16xi32> to vector<16x1xi32>
          %gather3A_563 = vector.shape_cast %broadcast_in_dim3A_562 : vector<16x1xi32> to vector<16xi32>
          %gather3A_564 = tpu.dynamic_gather %add3A_558[%gather3A_563] in [0] : vector<16xf32>, vector<16xi32> -> vector<16xf32>
          %add3A_565 = arith.addf %add3A_558, %gather3A_564 : vector<16xf32>
          %xor3A_566 = arith.constant 1 : i32
          %xor3A_567 = vector.broadcast %xor3A_566 : i32 to vector<16xi32>
          %xor3A_568 = arith.xori %iota3A, %xor3A_567 : vector<16xi32>
          %broadcast_in_dim3A_569 = vector.shape_cast %xor3A_568 : vector<16xi32> to vector<16x1xi32>
          %gather3A_570 = vector.shape_cast %broadcast_in_dim3A_569 : vector<16x1xi32> to vector<16xi32>
          %gather3A_571 = tpu.dynamic_gather %add3A_565[%gather3A_570] in [0] : vector<16xf32>, vector<16xi32> -> vector<16xf32>
          %add3A_572 = arith.addf %add3A_565, %gather3A_571 : vector<16xf32>
          %mul3A_573 = arith.constant 5.000000e-01 : f32
          %mul3A_574 = vector.broadcast %mul3A_573 : f32 to vector<16xf32>
          %mul3A_575 = arith.mulf %add3A_572, %mul3A_574 : vector<16xf32>
          %bitcast_convert_type3A_576 = tpu.bitcast %add3A_572 : vector<16xf32> -> vector<16xi32>
          %shift_right_logical3A_577 = arith.constant 1 : i32
          %shift_right_logical3A_578 = vector.broadcast %shift_right_logical3A_577 : i32 to vector<16xi32>
          %shift_right_logical3A_579 = arith.shrui %bitcast_convert_type3A_576, %shift_right_logical3A_578 : vector<16xi32>
          %sub3A_580 = arith.constant 1597463007 : i32
          %sub3A_581 = vector.broadcast %sub3A_580 : i32 to vector<16xi32>
          %sub3A_582 = arith.subi %sub3A_581, %shift_right_logical3A_579 : vector<16xi32>
          %bitcast_convert_type3A_583 = tpu.bitcast %sub3A_582 : vector<16xi32> -> vector<16xf32>
          %mul3A_584 = arith.mulf %mul3A_575, %bitcast_convert_type3A_583 : vector<16xf32>
          %mul3A_585 = arith.mulf %mul3A_584, %bitcast_convert_type3A_583 : vector<16xf32>
          %sub3A_586 = arith.constant 1.500000e+00 : f32
          %sub3A_587 = vector.broadcast %sub3A_586 : f32 to vector<16xf32>
          %sub3A_588 = arith.subf %sub3A_587, %mul3A_585 : vector<16xf32>
          %mul3A_589 = arith.mulf %bitcast_convert_type3A_583, %sub3A_588 : vector<16xf32>
          %mul3A_590 = arith.mulf %mul3A_589, %gather3A_544 : vector<16xf32>
          %mul3A_591 = arith.mulf %get3A_523, %mul3A_590 : vector<16xf32>
          %add3A_592 = arith.addf %add3A_507, %mul3A_591 : vector<16xf32>
          %mul3A_593 = arith.mulf %get3A_526, %mul3A_590 : vector<16xf32>
          %add3A_594 = arith.addf %add3A_509, %mul3A_593 : vector<16xf32>
          %mul3A_595 = arith.mulf %get3A_529, %mul3A_590 : vector<16xf32>
          %add3A_596 = arith.addf %add3A_511, %mul3A_595 : vector<16xf32>
          %mul3A_597 = arith.mulf %get3A_532, %mul3A_590 : vector<16xf32>
          %add3A_598 = arith.addf %add3A_513, %mul3A_597 : vector<16xf32>
          scf.yield %add3A_592, %add3A_594, %add3A_596, %add3A_598 : vector<16xf32>, vector<16xf32>, vector<16xf32>, vector<16xf32>
        }
        %scan3A_97 = arith.constant 10 : i32
        %mul3A_98 = arith.constant 400 : i32
        %mul3A_99 = arith.muli %add3A_27, %mul3A_98 : i32
        %mul3A_100 = arith.constant 50 : i32
        %mul3A_101 = arith.muli %scan3A_89, %mul3A_100 : i32
        %add3A_102 = arith.addi %mul3A_99, %mul3A_101 : i32
        %get3A = arith.index_cast %add3A_102 : i32 to index
        %get3A_103 = tpu.vector_load %arg7[%get3A] {strides = array<i32>} : memref<32000xf32, #tpu.memory_space<vmem>>, vector<16xf32>,
        %add3A_104 = arith.constant 16 : i32
        %add3A_105 = arith.addi %add3A_102, %add3A_104 : i32
        %get3A_106 = arith.index_cast %add3A_105 : i32 to index
        %get3A_107 = tpu.vector_load %arg7[%get3A_106] {strides = array<i32>} : memref<32000xf32, #tpu.memory_space<vmem>>, vector<16xf32>,
        %add3A_108 = arith.addf %get3A_103, %get3A_107 : vector<16xf32>
        %add3A_109 = arith.constant 32 : i32
        %add3A_110 = arith.addi %add3A_102, %add3A_109 : i32
        %get3A_111 = arith.index_cast %add3A_110 : i32 to index
        %get3A_112 = tpu.vector_load %arg7[%get3A_111] {strides = array<i32>} : memref<32000xf32, #tpu.memory_space<vmem>>, vector<16xf32>,
        %add3A_113 = arith.addf %add3A_108, %get3A_112 : vector<16xf32>
        %ge3A = arith.constant 14 : i32
        %ge3A_114 = vector.broadcast %ge3A : i32 to vector<16xi32>
        %ge3A_115 = arith.cmpi sge, %iota3A, %ge3A_114 : vector<16xi32>
        %add3A_116 = arith.constant 34 : i32
        %add3A_117 = arith.addi %add3A_102, %add3A_116 : i32
        %get3A_118 = arith.index_cast %add3A_117 : i32 to index
        %get3A_119 = tpu.vector_load %arg7[%get3A_118] {strides = array<i32>} : memref<32000xf32, #tpu.memory_space<vmem>>, vector<16xf32>,
        %jit3A = arith.constant 0.000000e+00 : f32
        %broadcast_in_dim3A_120 = vector.broadcast %jit3A : f32 to vector<16xf32>
        %select_n3A = arith.select %ge3A_115, %get3A_119, %broadcast_in_dim3A_120 : vector<16xi1>, vector<16xf32>
        %add3A_121 = arith.addf %add3A_113, %select_n3A : vector<16xf32>
        %xor3A = arith.constant 8 : i32
        %xor3A_122 = vector.broadcast %xor3A : i32 to vector<16xi32>
        %xor3A_123 = arith.xori %iota3A, %xor3A_122 : vector<16xi32>
        %broadcast_in_dim3A_124 = vector.shape_cast %xor3A_123 : vector<16xi32> to vector<16x1xi32>
        %gather3A = vector.shape_cast %broadcast_in_dim3A_124 : vector<16x1xi32> to vector<16xi32>
        %gather3A_125 = tpu.dynamic_gather %add3A_121[%gather3A] in [0] : vector<16xf32>, vector<16xi32> -> vector<16xf32>
        %add3A_126 = arith.addf %add3A_121, %gather3A_125 : vector<16xf32>
        %xor3A_127 = arith.constant 4 : i32
        %xor3A_128 = vector.broadcast %xor3A_127 : i32 to vector<16xi32>
        %xor3A_129 = arith.xori %iota3A, %xor3A_128 : vector<16xi32>
        %broadcast_in_dim3A_130 = vector.shape_cast %xor3A_129 : vector<16xi32> to vector<16x1xi32>
        %gather3A_131 = vector.shape_cast %broadcast_in_dim3A_130 : vector<16x1xi32> to vector<16xi32>
        %gather3A_132 = tpu.dynamic_gather %add3A_126[%gather3A_131] in [0] : vector<16xf32>, vector<16xi32> -> vector<16xf32>
        %add3A_133 = arith.addf %add3A_126, %gather3A_132 : vector<16xf32>
        %xor3A_134 = arith.constant 2 : i32
        %xor3A_135 = vector.broadcast %xor3A_134 : i32 to vector<16xi32>
        %xor3A_136 = arith.xori %iota3A, %xor3A_135 : vector<16xi32>
        %broadcast_in_dim3A_137 = vector.shape_cast %xor3A_136 : vector<16xi32> to vector<16x1xi32>
        %gather3A_138 = vector.shape_cast %broadcast_in_dim3A_137 : vector<16x1xi32> to vector<16xi32>
        %gather3A_139 = tpu.dynamic_gather %add3A_133[%gather3A_138] in [0] : vector<16xf32>, vector<16xi32> -> vector<16xf32>
        %add3A_140 = arith.addf %add3A_133, %gather3A_139 : vector<16xf32>
        %xor3A_141 = arith.constant 1 : i32
        %xor3A_142 = vector.broadcast %xor3A_141 : i32 to vector<16xi32>
        %xor3A_143 = arith.xori %iota3A, %xor3A_142 : vector<16xi32>
        %broadcast_in_dim3A_144 = vector.shape_cast %xor3A_143 : vector<16xi32> to vector<16x1xi32>
        %gather3A_145 = vector.shape_cast %broadcast_in_dim3A_144 : vector<16x1xi32> to vector<16xi32>
        %gather3A_146 = tpu.dynamic_gather %add3A_140[%gather3A_145] in [0] : vector<16xf32>, vector<16xi32> -> vector<16xf32>
        %add3A_147 = arith.addf %add3A_140, %gather3A_146 : vector<16xf32>
        %gt3A = arith.constant 0.000000e+00 : f32
        %gt3A_148 = vector.broadcast %gt3A : f32 to vector<16xf32>
        %gt3A_149 = arith.cmpf ogt, %add3A_147, %gt3A_148 : vector<16xf32>
        %div3A = arith.constant 1.000000e+00 : f32
        %div3A_150 = vector.broadcast %div3A : f32 to vector<16xf32>
        %div3A_151 = arith.divf %div3A_150, %add3A_147 : vector<16xf32>
        %jit3A_152 = arith.constant 0.000000e+00 : f32
        %broadcast_in_dim3A_153 = vector.broadcast %jit3A_152 : f32 to vector<16xf32>
        %select_n3A_154 = arith.select %gt3A_149, %div3A_151, %broadcast_in_dim3A_153 : vector<16xi1>, vector<16xf32>
        %mul3A_155 = arith.mulf %scan3A_96#0, %select_n3A_154 : vector<16xf32>
        %swap3A = arith.index_cast %scan3A_89 : i32 to index
        %swap3A_156 = arith.constant 0 : index
        %swap3A_157 = tpu.vector_load %arg10[%swap3A, %swap3A_156] {strides = array<i32>} : memref<8x64xf32, #tpu.memory_space<vmem>>, vector<16xf32>,
        tpu.vector_store %arg10[%swap3A, %swap3A_156], %mul3A_155 {strides = array<i32>} : memref<8x64xf32, #tpu.memory_space<vmem>>, vector<16xf32>,
        %mul3A_158 = arith.mulf %scan3A_96#1, %select_n3A_154 : vector<16xf32>
        %swap3A_159 = arith.index_cast %scan3A_89 : i32 to index
        %swap3A_160 = arith.constant 16 : index
        %swap3A_161 = tpu.vector_load %arg10[%swap3A_159, %swap3A_160] {strides = array<i32>} : memref<8x64xf32, #tpu.memory_space<vmem>>, vector<16xf32>,
        tpu.vector_store %arg10[%swap3A_159, %swap3A_160], %mul3A_158 {strides = array<i32>} : memref<8x64xf32, #tpu.memory_space<vmem>>, vector<16xf32>,
        %mul3A_162 = arith.mulf %scan3A_96#2, %select_n3A_154 : vector<16xf32>
        %swap3A_163 = arith.index_cast %scan3A_89 : i32 to index
        %swap3A_164 = arith.constant 32 : index
        %swap3A_165 = tpu.vector_load %arg10[%swap3A_163, %swap3A_164] {strides = array<i32>} : memref<8x64xf32, #tpu.memory_space<vmem>>, vector<16xf32>,
        tpu.vector_store %arg10[%swap3A_163, %swap3A_164], %mul3A_162 {strides = array<i32>} : memref<8x64xf32, #tpu.memory_space<vmem>>, vector<16xf32>,
        %mul3A_166 = arith.mulf %scan3A_96#3, %select_n3A_154 : vector<16xf32>
        %swap3A_167 = arith.index_cast %scan3A_89 : i32 to index
        %swap3A_168 = arith.constant 48 : index
        %swap3A_169 = tpu.vector_load %arg10[%swap3A_167, %swap3A_168] {strides = array<i32>} : memref<8x64xf32, #tpu.memory_space<vmem>>, vector<16xf32>,
        tpu.vector_store %arg10[%swap3A_167, %swap3A_168], %mul3A_166 {strides = array<i32>} : memref<8x64xf32, #tpu.memory_space<vmem>>, vector<16xf32>,
        %scan3A_170 = arith.constant 0 : i32
        scf.yield %scan3A_170 : i32
      }
      %scan3A_50 = arith.constant 8 : i32
      %mul3A_51 = arith.constant 8 : i32
      %mul3A_52 = arith.muli %add3A_27, %mul3A_51 : i32
      %add3A_53 = arith.addi %mul3A_2, %mul3A_52 : i32
      %multiple_of3A_54 = tpu.assume_multiple %add3A_53, 8 : i32
      "tpu.region"() ({
        %run_scoped3A = tpu.sem_alloc : memref<!tpu.dma_semaphore, #tpu.memory_space<semaphore_mem>>
        %dma_start3A_89 = arith.constant 0 : i32
        %dma_start3A_90 = tpu.memref_slice %arg5[%multiple_of3A_54, %dma_start3A_89] : memref<20480x64xf32, #tpu.memory_space<hbm>> -> memref<8x64xf32, #tpu.memory_space<hbm>>
        %dma_start3A_91 = arith.constant 0 : i32
        %dma_start3A_92 = tpu.memref_slice %arg5[%multiple_of3A_54, %dma_start3A_91] : memref<20480x64xf32, #tpu.memory_space<hbm>> -> memref<8x64xf32, #tpu.memory_space<hbm>>
        tpu.enqueue_dma source(%arg10 : memref<8x64xf32, #tpu.memory_space<vmem>>) target(%dma_start3A_92 : memref<8x64xf32, #tpu.memory_space<hbm>>) target_semaphore(%run_scoped3A : memref<!tpu.dma_semaphore, #tpu.memory_space<semaphore_mem>>)
        %dma_wait3A_93 = arith.constant 0 : i32
        %dma_wait3A_94 = tpu.memref_slice %arg5[%multiple_of3A_54, %dma_wait3A_93] : memref<20480x64xf32, #tpu.memory_space<hbm>> -> memref<8x64xf32, #tpu.memory_space<hbm>>
        %dma_wait3A_95 = arith.constant 0 : i32
        %dma_wait3A_96 = tpu.memref_slice %arg5[%multiple_of3A_54, %dma_wait3A_95] : memref<20480x64xf32, #tpu.memory_space<hbm>> -> memref<8x64xf32, #tpu.memory_space<hbm>>
        tpu.wait_dma2 semaphore(%run_scoped3A : memref<!tpu.dma_semaphore, #tpu.memory_space<semaphore_mem>>) src(%arg10 : memref<8x64xf32, #tpu.memory_space<vmem>>) dst(%dma_wait3A_96 : memref<8x64xf32, #tpu.memory_space<hbm>>)
        tpu.yield
      }) : () -> ()
      %mul3A_55 = arith.constant 2 : i32
      %mul3A_56 = arith.muli %scan3A_22, %mul3A_55 : i32
      %add3A_57 = arith.constant 1 : i32
      %add3A_58 = arith.addi %mul3A_56, %add3A_57 : i32
      %add3A_59 = arith.constant 2 : i32
      %add3A_60 = arith.addi %add3A_58, %add3A_59 : i32
      %sub3A_61 = arith.constant 1 : i32
      %sub3A_62 = arith.subi %add3A_60, %sub3A_61 : i32
      %min3A_63 = arith.constant 79 : i32
      %min3A_64 = arith.minsi %sub3A_62, %min3A_63 : i32
      %mul3A_65 = arith.constant 400 : i32
      %mul3A_66 = arith.muli %min3A_64, %mul3A_65 : i32
      %dma_start3A_67 = tpu.memref_slice %arg6[%mul3A_66] : memref<32000xi32, #tpu.memory_space<vmem>> -> memref<400xi32, #tpu.memory_space<vmem>>
      %dma_start3A_68 = arith.constant 0 : i32
      %dma_start3A_69 = arith.constant 0 : i32
      %dma_start3A_70 = tpu.memref_slice %arg4[%dma_start3A_68, %dma_start3A_69] : memref<1000000x64xf32, #tpu.memory_space<hbm>> -> memref<1000000x64xf32, #tpu.memory_space<hbm>>
      tpu.enqueue_indirect_dma source(%dma_start3A_70 : memref<1000000x64xf32, #tpu.memory_space<hbm>>) target(%arg8 : memref<400x64xf32, #tpu.memory_space<vmem>>) offsets(%dma_start3A_67 : memref<400xi32, #tpu.memory_space<vmem>>) semaphore(%arg11 : memref<!tpu.dma_semaphore, #tpu.memory_space<semaphore_mem>>)
      %mul3A_71 = arith.constant 400 : i32
      %mul3A_72 = arith.muli %add3A_58, %mul3A_71 : i32
      %dma_wait3A_73 = tpu.memref_slice %arg6[%mul3A_72] : memref<32000xi32, #tpu.memory_space<vmem>> -> memref<400xi32, #tpu.memory_space<vmem>>
      %dma_wait3A_74 = arith.constant 0 : i32
      %dma_wait3A_75 = arith.constant 0 : i32
      %dma_wait3A_76 = tpu.memref_slice %arg4[%dma_wait3A_74, %dma_wait3A_75] : memref<1000000x64xf32, #tpu.memory_space<hbm>> -> memref<1000000x64xf32, #tpu.memory_space<hbm>>
      tpu.wait_indirect_dma semaphore(%arg12 : memref<!tpu.dma_semaphore, #tpu.memory_space<semaphore_mem>>) src(%dma_wait3A_76 : memref<1000000x64xf32, #tpu.memory_space<hbm>>) dst(%arg9 : memref<400x64xf32, #tpu.memory_space<vmem>>)
      %scan3A_77 = arith.constant 0 : i32
      %scan3A_78 = arith.constant 0 : i32
      %scan3A_79 = arith.constant 8 : i32
      %scan3A_80 = arith.addi %scan3A_78, %scan3A_79 : i32
      %scan3A_81 = arith.constant 1 : i32
      %scan3A_82 = scf.for %scan3A_89 = %scan3A_78 to %scan3A_80 step %scan3A_81 iter_args(%scan3A_90 = %scan3A_77) -> (i32)  : i32 {
        %broadcast_in_dim3A = arith.constant 0.000000e+00 : f32
        %broadcast_in_dim3A_91 = vector.broadcast %broadcast_in_dim3A : f32 to vector<16xf32>
        %scan3A_92 = arith.constant 0 : i32
        %scan3A_93 = arith.constant 10 : i32
        %scan3A_94 = arith.addi %scan3A_92, %scan3A_93 : i32
        %scan3A_95 = arith.constant 1 : i32
        %scan3A_96:4 = scf.for %scan3A_171 = %scan3A_92 to %scan3A_94 step %scan3A_95 iter_args(%scan3A_172 = %broadcast_in_dim3A_91, %scan3A_173 = %broadcast_in_dim3A_91, %scan3A_174 = %broadcast_in_dim3A_91, %scan3A_175 = %broadcast_in_dim3A_91) -> (vector<16xf32>, vector<16xf32>, vector<16xf32>, vector<16xf32>)  : i32 {
          %mul3A_176 = arith.constant 50 : i32
          %mul3A_177 = arith.muli %scan3A_89, %mul3A_176 : i32
          %mul3A_178 = arith.constant 5 : i32
          %mul3A_179 = arith.muli %scan3A_171, %mul3A_178 : i32
          %add3A_180 = arith.addi %mul3A_177, %mul3A_179 : i32
          %add3A_181 = arith.constant 0 : i32
          %add3A_182 = arith.addi %add3A_180, %add3A_181 : i32
          %get3A_183 = arith.index_cast %add3A_182 : i32 to index
          %get3A_184 = arith.constant 0 : index
          %get3A_185 = tpu.vector_load %arg9[%get3A_183, %get3A_184] {strides = array<i32>} : memref<400x64xf32, #tpu.memory_space<vmem>>, vector<16xf32>,
          %get3A_186 = arith.index_cast %add3A_182 : i32 to index
          %get3A_187 = arith.constant 16 : index
          %get3A_188 = tpu.vector_load %arg9[%get3A_186, %get3A_187] {strides = array<i32>} : memref<400x64xf32, #tpu.memory_space<vmem>>, vector<16xf32>,
          %get3A_189 = arith.index_cast %add3A_182 : i32 to index
          %get3A_190 = arith.constant 32 : index
          %get3A_191 = tpu.vector_load %arg9[%get3A_189, %get3A_190] {strides = array<i32>} : memref<400x64xf32, #tpu.memory_space<vmem>>, vector<16xf32>,
          %get3A_192 = arith.index_cast %add3A_182 : i32 to index
          %get3A_193 = arith.constant 48 : index
          %get3A_194 = tpu.vector_load %arg9[%get3A_192, %get3A_193] {strides = array<i32>} : memref<400x64xf32, #tpu.memory_space<vmem>>, vector<16xf32>,
          %mul3A_195 = arith.mulf %get3A_185, %get3A_185 : vector<16xf32>
          %mul3A_196 = arith.mulf %get3A_188, %get3A_188 : vector<16xf32>
          %add3A_197 = arith.addf %mul3A_195, %mul3A_196 : vector<16xf32>
          %mul3A_198 = arith.mulf %get3A_191, %get3A_191 : vector<16xf32>
          %add3A_199 = arith.addf %add3A_197, %mul3A_198 : vector<16xf32>
          %mul3A_200 = arith.mulf %get3A_194, %get3A_194 : vector<16xf32>
          %add3A_201 = arith.addf %add3A_199, %mul3A_200 : vector<16xf32>
          %mul3A_202 = arith.constant 400 : i32
          %mul3A_203 = arith.muli %add3A_58, %mul3A_202 : i32
          %add3A_204 = arith.addi %mul3A_203, %add3A_182 : i32
          %broadcast_in_dim3A_205 = vector.broadcast %add3A_204 : i32 to vector<16xi32>
          %gather3A_206 = tpu.vector_load_idx %arg7[%broadcast_in_dim3A_205] : memref<32000xf32, #tpu.memory_space<vmem>>[vector<16xi32>], vector<16xf32>,
          %xor3A_207 = arith.constant 8 : i32
          %xor3A_208 = vector.broadcast %xor3A_207 : i32 to vector<16xi32>
          %xor3A_209 = arith.xori %iota3A, %xor3A_208 : vector<16xi32>
          %broadcast_in_dim3A_210 = vector.shape_cast %xor3A_209 : vector<16xi32> to vector<16x1xi32>
          %gather3A_211 = vector.shape_cast %broadcast_in_dim3A_210 : vector<16x1xi32> to vector<16xi32>
          %gather3A_212 = tpu.dynamic_gather %add3A_201[%gather3A_211] in [0] : vector<16xf32>, vector<16xi32> -> vector<16xf32>
          %add3A_213 = arith.addf %add3A_201, %gather3A_212 : vector<16xf32>
          %xor3A_214 = arith.constant 4 : i32
          %xor3A_215 = vector.broadcast %xor3A_214 : i32 to vector<16xi32>
          %xor3A_216 = arith.xori %iota3A, %xor3A_215 : vector<16xi32>
          %broadcast_in_dim3A_217 = vector.shape_cast %xor3A_216 : vector<16xi32> to vector<16x1xi32>
          %gather3A_218 = vector.shape_cast %broadcast_in_dim3A_217 : vector<16x1xi32> to vector<16xi32>
          %gather3A_219 = tpu.dynamic_gather %add3A_213[%gather3A_218] in [0] : vector<16xf32>, vector<16xi32> -> vector<16xf32>
          %add3A_220 = arith.addf %add3A_213, %gather3A_219 : vector<16xf32>
          %xor3A_221 = arith.constant 2 : i32
          %xor3A_222 = vector.broadcast %xor3A_221 : i32 to vector<16xi32>
          %xor3A_223 = arith.xori %iota3A, %xor3A_222 : vector<16xi32>
          %broadcast_in_dim3A_224 = vector.shape_cast %xor3A_223 : vector<16xi32> to vector<16x1xi32>
          %gather3A_225 = vector.shape_cast %broadcast_in_dim3A_224 : vector<16x1xi32> to vector<16xi32>
          %gather3A_226 = tpu.dynamic_gather %add3A_220[%gather3A_225] in [0] : vector<16xf32>, vector<16xi32> -> vector<16xf32>
          %add3A_227 = arith.addf %add3A_220, %gather3A_226 : vector<16xf32>
          %xor3A_228 = arith.constant 1 : i32
          %xor3A_229 = vector.broadcast %xor3A_228 : i32 to vector<16xi32>
          %xor3A_230 = arith.xori %iota3A, %xor3A_229 : vector<16xi32>
          %broadcast_in_dim3A_231 = vector.shape_cast %xor3A_230 : vector<16xi32> to vector<16x1xi32>
          %gather3A_232 = vector.shape_cast %broadcast_in_dim3A_231 : vector<16x1xi32> to vector<16xi32>
          %gather3A_233 = tpu.dynamic_gather %add3A_227[%gather3A_232] in [0] : vector<16xf32>, vector<16xi32> -> vector<16xf32>
          %add3A_234 = arith.addf %add3A_227, %gather3A_233 : vector<16xf32>
          %mul3A_235 = arith.constant 5.000000e-01 : f32
          %mul3A_236 = vector.broadcast %mul3A_235 : f32 to vector<16xf32>
          %mul3A_237 = arith.mulf %add3A_234, %mul3A_236 : vector<16xf32>
          %bitcast_convert_type3A = tpu.bitcast %add3A_234 : vector<16xf32> -> vector<16xi32>
          %shift_right_logical3A = arith.constant 1 : i32
          %shift_right_logical3A_238 = vector.broadcast %shift_right_logical3A : i32 to vector<16xi32>
          %shift_right_logical3A_239 = arith.shrui %bitcast_convert_type3A, %shift_right_logical3A_238 : vector<16xi32>
          %sub3A_240 = arith.constant 1597463007 : i32
          %sub3A_241 = vector.broadcast %sub3A_240 : i32 to vector<16xi32>
          %sub3A_242 = arith.subi %sub3A_241, %shift_right_logical3A_239 : vector<16xi32>
          %bitcast_convert_type3A_243 = tpu.bitcast %sub3A_242 : vector<16xi32> -> vector<16xf32>
          %mul3A_244 = arith.mulf %mul3A_237, %bitcast_convert_type3A_243 : vector<16xf32>
          %mul3A_245 = arith.mulf %mul3A_244, %bitcast_convert_type3A_243 : vector<16xf32>
          %sub3A_246 = arith.constant 1.500000e+00 : f32
          %sub3A_247 = vector.broadcast %sub3A_246 : f32 to vector<16xf32>
          %sub3A_248 = arith.subf %sub3A_247, %mul3A_245 : vector<16xf32>
          %mul3A_249 = arith.mulf %bitcast_convert_type3A_243, %sub3A_248 : vector<16xf32>
          %mul3A_250 = arith.mulf %mul3A_249, %gather3A_206 : vector<16xf32>
          %mul3A_251 = arith.mulf %get3A_185, %mul3A_250 : vector<16xf32>
          %add3A_252 = arith.addf %scan3A_172, %mul3A_251 : vector<16xf32>
          %mul3A_253 = arith.mulf %get3A_188, %mul3A_250 : vector<16xf32>
          %add3A_254 = arith.addf %scan3A_173, %mul3A_253 : vector<16xf32>
          %mul3A_255 = arith.mulf %get3A_191, %mul3A_250 : vector<16xf32>
          %add3A_256 = arith.addf %scan3A_174, %mul3A_255 : vector<16xf32>
          %mul3A_257 = arith.mulf %get3A_194, %mul3A_250 : vector<16xf32>
          %add3A_258 = arith.addf %scan3A_175, %mul3A_257 : vector<16xf32>
          %mul3A_259 = arith.constant 50 : i32
          %mul3A_260 = arith.muli %scan3A_89, %mul3A_259 : i32
          %mul3A_261 = arith.constant 5 : i32
          %mul3A_262 = arith.muli %scan3A_171, %mul3A_261 : i32
          %add3A_263 = arith.addi %mul3A_260, %mul3A_262 : i32
          %add3A_264 = arith.constant 1 : i32
          %add3A_265 = arith.addi %add3A_263, %add3A_264 : i32
          %get3A_266 = arith.index_cast %add3A_265 : i32 to index
          %get3A_267 = arith.constant 0 : index
          %get3A_268 = tpu.vector_load %arg9[%get3A_266, %get3A_267] {strides = array<i32>} : memref<400x64xf32, #tpu.memory_space<vmem>>, vector<16xf32>,
          %get3A_269 = arith.index_cast %add3A_265 : i32 to index
          %get3A_270 = arith.constant 16 : index
          %get3A_271 = tpu.vector_load %arg9[%get3A_269, %get3A_270] {strides = array<i32>} : memref<400x64xf32, #tpu.memory_space<vmem>>, vector<16xf32>,
          %get3A_272 = arith.index_cast %add3A_265 : i32 to index
          %get3A_273 = arith.constant 32 : index
          %get3A_274 = tpu.vector_load %arg9[%get3A_272, %get3A_273] {strides = array<i32>} : memref<400x64xf32, #tpu.memory_space<vmem>>, vector<16xf32>,
          %get3A_275 = arith.index_cast %add3A_265 : i32 to index
          %get3A_276 = arith.constant 48 : index
          %get3A_277 = tpu.vector_load %arg9[%get3A_275, %get3A_276] {strides = array<i32>} : memref<400x64xf32, #tpu.memory_space<vmem>>, vector<16xf32>,
          %mul3A_278 = arith.mulf %get3A_268, %get3A_268 : vector<16xf32>
          %mul3A_279 = arith.mulf %get3A_271, %get3A_271 : vector<16xf32>
          %add3A_280 = arith.addf %mul3A_278, %mul3A_279 : vector<16xf32>
          %mul3A_281 = arith.mulf %get3A_274, %get3A_274 : vector<16xf32>
          %add3A_282 = arith.addf %add3A_280, %mul3A_281 : vector<16xf32>
          %mul3A_283 = arith.mulf %get3A_277, %get3A_277 : vector<16xf32>
          %add3A_284 = arith.addf %add3A_282, %mul3A_283 : vector<16xf32>
          %mul3A_285 = arith.constant 400 : i32
          %mul3A_286 = arith.muli %add3A_58, %mul3A_285 : i32
          %add3A_287 = arith.addi %mul3A_286, %add3A_265 : i32
          %broadcast_in_dim3A_288 = vector.broadcast %add3A_287 : i32 to vector<16xi32>
          %gather3A_289 = tpu.vector_load_idx %arg7[%broadcast_in_dim3A_288] : memref<32000xf32, #tpu.memory_space<vmem>>[vector<16xi32>], vector<16xf32>,
          %xor3A_290 = arith.constant 8 : i32
          %xor3A_291 = vector.broadcast %xor3A_290 : i32 to vector<16xi32>
          %xor3A_292 = arith.xori %iota3A, %xor3A_291 : vector<16xi32>
          %broadcast_in_dim3A_293 = vector.shape_cast %xor3A_292 : vector<16xi32> to vector<16x1xi32>
          %gather3A_294 = vector.shape_cast %broadcast_in_dim3A_293 : vector<16x1xi32> to vector<16xi32>
          %gather3A_295 = tpu.dynamic_gather %add3A_284[%gather3A_294] in [0] : vector<16xf32>, vector<16xi32> -> vector<16xf32>
          %add3A_296 = arith.addf %add3A_284, %gather3A_295 : vector<16xf32>
          %xor3A_297 = arith.constant 4 : i32
          %xor3A_298 = vector.broadcast %xor3A_297 : i32 to vector<16xi32>
          %xor3A_299 = arith.xori %iota3A, %xor3A_298 : vector<16xi32>
          %broadcast_in_dim3A_300 = vector.shape_cast %xor3A_299 : vector<16xi32> to vector<16x1xi32>
          %gather3A_301 = vector.shape_cast %broadcast_in_dim3A_300 : vector<16x1xi32> to vector<16xi32>
          %gather3A_302 = tpu.dynamic_gather %add3A_296[%gather3A_301] in [0] : vector<16xf32>, vector<16xi32> -> vector<16xf32>
          %add3A_303 = arith.addf %add3A_296, %gather3A_302 : vector<16xf32>
          %xor3A_304 = arith.constant 2 : i32
          %xor3A_305 = vector.broadcast %xor3A_304 : i32 to vector<16xi32>
          %xor3A_306 = arith.xori %iota3A, %xor3A_305 : vector<16xi32>
          %broadcast_in_dim3A_307 = vector.shape_cast %xor3A_306 : vector<16xi32> to vector<16x1xi32>
          %gather3A_308 = vector.shape_cast %broadcast_in_dim3A_307 : vector<16x1xi32> to vector<16xi32>
          %gather3A_309 = tpu.dynamic_gather %add3A_303[%gather3A_308] in [0] : vector<16xf32>, vector<16xi32> -> vector<16xf32>
          %add3A_310 = arith.addf %add3A_303, %gather3A_309 : vector<16xf32>
          %xor3A_311 = arith.constant 1 : i32
          %xor3A_312 = vector.broadcast %xor3A_311 : i32 to vector<16xi32>
          %xor3A_313 = arith.xori %iota3A, %xor3A_312 : vector<16xi32>
          %broadcast_in_dim3A_314 = vector.shape_cast %xor3A_313 : vector<16xi32> to vector<16x1xi32>
          %gather3A_315 = vector.shape_cast %broadcast_in_dim3A_314 : vector<16x1xi32> to vector<16xi32>
          %gather3A_316 = tpu.dynamic_gather %add3A_310[%gather3A_315] in [0] : vector<16xf32>, vector<16xi32> -> vector<16xf32>
          %add3A_317 = arith.addf %add3A_310, %gather3A_316 : vector<16xf32>
          %mul3A_318 = arith.constant 5.000000e-01 : f32
          %mul3A_319 = vector.broadcast %mul3A_318 : f32 to vector<16xf32>
          %mul3A_320 = arith.mulf %add3A_317, %mul3A_319 : vector<16xf32>
          %bitcast_convert_type3A_321 = tpu.bitcast %add3A_317 : vector<16xf32> -> vector<16xi32>
          %shift_right_logical3A_322 = arith.constant 1 : i32
          %shift_right_logical3A_323 = vector.broadcast %shift_right_logical3A_322 : i32 to vector<16xi32>
          %shift_right_logical3A_324 = arith.shrui %bitcast_convert_type3A_321, %shift_right_logical3A_323 : vector<16xi32>
          %sub3A_325 = arith.constant 1597463007 : i32
          %sub3A_326 = vector.broadcast %sub3A_325 : i32 to vector<16xi32>
          %sub3A_327 = arith.subi %sub3A_326, %shift_right_logical3A_324 : vector<16xi32>
          %bitcast_convert_type3A_328 = tpu.bitcast %sub3A_327 : vector<16xi32> -> vector<16xf32>
          %mul3A_329 = arith.mulf %mul3A_320, %bitcast_convert_type3A_328 : vector<16xf32>
          %mul3A_330 = arith.mulf %mul3A_329, %bitcast_convert_type3A_328 : vector<16xf32>
          %sub3A_331 = arith.constant 1.500000e+00 : f32
          %sub3A_332 = vector.broadcast %sub3A_331 : f32 to vector<16xf32>
          %sub3A_333 = arith.subf %sub3A_332, %mul3A_330 : vector<16xf32>
          %mul3A_334 = arith.mulf %bitcast_convert_type3A_328, %sub3A_333 : vector<16xf32>
          %mul3A_335 = arith.mulf %mul3A_334, %gather3A_289 : vector<16xf32>
          %mul3A_336 = arith.mulf %get3A_268, %mul3A_335 : vector<16xf32>
          %add3A_337 = arith.addf %add3A_252, %mul3A_336 : vector<16xf32>
          %mul3A_338 = arith.mulf %get3A_271, %mul3A_335 : vector<16xf32>
          %add3A_339 = arith.addf %add3A_254, %mul3A_338 : vector<16xf32>
          %mul3A_340 = arith.mulf %get3A_274, %mul3A_335 : vector<16xf32>
          %add3A_341 = arith.addf %add3A_256, %mul3A_340 : vector<16xf32>
          %mul3A_342 = arith.mulf %get3A_277, %mul3A_335 : vector<16xf32>
          %add3A_343 = arith.addf %add3A_258, %mul3A_342 : vector<16xf32>
          %mul3A_344 = arith.constant 50 : i32
          %mul3A_345 = arith.muli %scan3A_89, %mul3A_344 : i32
          %mul3A_346 = arith.constant 5 : i32
          %mul3A_347 = arith.muli %scan3A_171, %mul3A_346 : i32
          %add3A_348 = arith.addi %mul3A_345, %mul3A_347 : i32
          %add3A_349 = arith.constant 2 : i32
          %add3A_350 = arith.addi %add3A_348, %add3A_349 : i32
          %get3A_351 = arith.index_cast %add3A_350 : i32 to index
          %get3A_352 = arith.constant 0 : index
          %get3A_353 = tpu.vector_load %arg9[%get3A_351, %get3A_352] {strides = array<i32>} : memref<400x64xf32, #tpu.memory_space<vmem>>, vector<16xf32>,
          %get3A_354 = arith.index_cast %add3A_350 : i32 to index
          %get3A_355 = arith.constant 16 : index
          %get3A_356 = tpu.vector_load %arg9[%get3A_354, %get3A_355] {strides = array<i32>} : memref<400x64xf32, #tpu.memory_space<vmem>>, vector<16xf32>,
          %get3A_357 = arith.index_cast %add3A_350 : i32 to index
          %get3A_358 = arith.constant 32 : index
          %get3A_359 = tpu.vector_load %arg9[%get3A_357, %get3A_358] {strides = array<i32>} : memref<400x64xf32, #tpu.memory_space<vmem>>, vector<16xf32>,
          %get3A_360 = arith.index_cast %add3A_350 : i32 to index
          %get3A_361 = arith.constant 48 : index
          %get3A_362 = tpu.vector_load %arg9[%get3A_360, %get3A_361] {strides = array<i32>} : memref<400x64xf32, #tpu.memory_space<vmem>>, vector<16xf32>,
          %mul3A_363 = arith.mulf %get3A_353, %get3A_353 : vector<16xf32>
          %mul3A_364 = arith.mulf %get3A_356, %get3A_356 : vector<16xf32>
          %add3A_365 = arith.addf %mul3A_363, %mul3A_364 : vector<16xf32>
          %mul3A_366 = arith.mulf %get3A_359, %get3A_359 : vector<16xf32>
          %add3A_367 = arith.addf %add3A_365, %mul3A_366 : vector<16xf32>
          %mul3A_368 = arith.mulf %get3A_362, %get3A_362 : vector<16xf32>
          %add3A_369 = arith.addf %add3A_367, %mul3A_368 : vector<16xf32>
          %mul3A_370 = arith.constant 400 : i32
          %mul3A_371 = arith.muli %add3A_58, %mul3A_370 : i32
          %add3A_372 = arith.addi %mul3A_371, %add3A_350 : i32
          %broadcast_in_dim3A_373 = vector.broadcast %add3A_372 : i32 to vector<16xi32>
          %gather3A_374 = tpu.vector_load_idx %arg7[%broadcast_in_dim3A_373] : memref<32000xf32, #tpu.memory_space<vmem>>[vector<16xi32>], vector<16xf32>,
          %xor3A_375 = arith.constant 8 : i32
          %xor3A_376 = vector.broadcast %xor3A_375 : i32 to vector<16xi32>
          %xor3A_377 = arith.xori %iota3A, %xor3A_376 : vector<16xi32>
          %broadcast_in_dim3A_378 = vector.shape_cast %xor3A_377 : vector<16xi32> to vector<16x1xi32>
          %gather3A_379 = vector.shape_cast %broadcast_in_dim3A_378 : vector<16x1xi32> to vector<16xi32>
          %gather3A_380 = tpu.dynamic_gather %add3A_369[%gather3A_379] in [0] : vector<16xf32>, vector<16xi32> -> vector<16xf32>
          %add3A_381 = arith.addf %add3A_369, %gather3A_380 : vector<16xf32>
          %xor3A_382 = arith.constant 4 : i32
          %xor3A_383 = vector.broadcast %xor3A_382 : i32 to vector<16xi32>
          %xor3A_384 = arith.xori %iota3A, %xor3A_383 : vector<16xi32>
          %broadcast_in_dim3A_385 = vector.shape_cast %xor3A_384 : vector<16xi32> to vector<16x1xi32>
          %gather3A_386 = vector.shape_cast %broadcast_in_dim3A_385 : vector<16x1xi32> to vector<16xi32>
          %gather3A_387 = tpu.dynamic_gather %add3A_381[%gather3A_386] in [0] : vector<16xf32>, vector<16xi32> -> vector<16xf32>
          %add3A_388 = arith.addf %add3A_381, %gather3A_387 : vector<16xf32>
          %xor3A_389 = arith.constant 2 : i32
          %xor3A_390 = vector.broadcast %xor3A_389 : i32 to vector<16xi32>
          %xor3A_391 = arith.xori %iota3A, %xor3A_390 : vector<16xi32>
          %broadcast_in_dim3A_392 = vector.shape_cast %xor3A_391 : vector<16xi32> to vector<16x1xi32>
          %gather3A_393 = vector.shape_cast %broadcast_in_dim3A_392 : vector<16x1xi32> to vector<16xi32>
          %gather3A_394 = tpu.dynamic_gather %add3A_388[%gather3A_393] in [0] : vector<16xf32>, vector<16xi32> -> vector<16xf32>
          %add3A_395 = arith.addf %add3A_388, %gather3A_394 : vector<16xf32>
          %xor3A_396 = arith.constant 1 : i32
          %xor3A_397 = vector.broadcast %xor3A_396 : i32 to vector<16xi32>
          %xor3A_398 = arith.xori %iota3A, %xor3A_397 : vector<16xi32>
          %broadcast_in_dim3A_399 = vector.shape_cast %xor3A_398 : vector<16xi32> to vector<16x1xi32>
          %gather3A_400 = vector.shape_cast %broadcast_in_dim3A_399 : vector<16x1xi32> to vector<16xi32>
          %gather3A_401 = tpu.dynamic_gather %add3A_395[%gather3A_400] in [0] : vector<16xf32>, vector<16xi32> -> vector<16xf32>
          %add3A_402 = arith.addf %add3A_395, %gather3A_401 : vector<16xf32>
          %mul3A_403 = arith.constant 5.000000e-01 : f32
          %mul3A_404 = vector.broadcast %mul3A_403 : f32 to vector<16xf32>
          %mul3A_405 = arith.mulf %add3A_402, %mul3A_404 : vector<16xf32>
          %bitcast_convert_type3A_406 = tpu.bitcast %add3A_402 : vector<16xf32> -> vector<16xi32>
          %shift_right_logical3A_407 = arith.constant 1 : i32
          %shift_right_logical3A_408 = vector.broadcast %shift_right_logical3A_407 : i32 to vector<16xi32>
          %shift_right_logical3A_409 = arith.shrui %bitcast_convert_type3A_406, %shift_right_logical3A_408 : vector<16xi32>
          %sub3A_410 = arith.constant 1597463007 : i32
          %sub3A_411 = vector.broadcast %sub3A_410 : i32 to vector<16xi32>
          %sub3A_412 = arith.subi %sub3A_411, %shift_right_logical3A_409 : vector<16xi32>
          %bitcast_convert_type3A_413 = tpu.bitcast %sub3A_412 : vector<16xi32> -> vector<16xf32>
          %mul3A_414 = arith.mulf %mul3A_405, %bitcast_convert_type3A_413 : vector<16xf32>
          %mul3A_415 = arith.mulf %mul3A_414, %bitcast_convert_type3A_413 : vector<16xf32>
          %sub3A_416 = arith.constant 1.500000e+00 : f32
          %sub3A_417 = vector.broadcast %sub3A_416 : f32 to vector<16xf32>
          %sub3A_418 = arith.subf %sub3A_417, %mul3A_415 : vector<16xf32>
          %mul3A_419 = arith.mulf %bitcast_convert_type3A_413, %sub3A_418 : vector<16xf32>
          %mul3A_420 = arith.mulf %mul3A_419, %gather3A_374 : vector<16xf32>
          %mul3A_421 = arith.mulf %get3A_353, %mul3A_420 : vector<16xf32>
          %add3A_422 = arith.addf %add3A_337, %mul3A_421 : vector<16xf32>
          %mul3A_423 = arith.mulf %get3A_356, %mul3A_420 : vector<16xf32>
          %add3A_424 = arith.addf %add3A_339, %mul3A_423 : vector<16xf32>
          %mul3A_425 = arith.mulf %get3A_359, %mul3A_420 : vector<16xf32>
          %add3A_426 = arith.addf %add3A_341, %mul3A_425 : vector<16xf32>
          %mul3A_427 = arith.mulf %get3A_362, %mul3A_420 : vector<16xf32>
          %add3A_428 = arith.addf %add3A_343, %mul3A_427 : vector<16xf32>
          %mul3A_429 = arith.constant 50 : i32
          %mul3A_430 = arith.muli %scan3A_89, %mul3A_429 : i32
          %mul3A_431 = arith.constant 5 : i32
          %mul3A_432 = arith.muli %scan3A_171, %mul3A_431 : i32
          %add3A_433 = arith.addi %mul3A_430, %mul3A_432 : i32
          %add3A_434 = arith.constant 3 : i32
          %add3A_435 = arith.addi %add3A_433, %add3A_434 : i32
          %get3A_436 = arith.index_cast %add3A_435 : i32 to index
          %get3A_437 = arith.constant 0 : index
          %get3A_438 = tpu.vector_load %arg9[%get3A_436, %get3A_437] {strides = array<i32>} : memref<400x64xf32, #tpu.memory_space<vmem>>, vector<16xf32>,
          %get3A_439 = arith.index_cast %add3A_435 : i32 to index
          %get3A_440 = arith.constant 16 : index
          %get3A_441 = tpu.vector_load %arg9[%get3A_439, %get3A_440] {strides = array<i32>} : memref<400x64xf32, #tpu.memory_space<vmem>>, vector<16xf32>,
          %get3A_442 = arith.index_cast %add3A_435 : i32 to index
          %get3A_443 = arith.constant 32 : index
          %get3A_444 = tpu.vector_load %arg9[%get3A_442, %get3A_443] {strides = array<i32>} : memref<400x64xf32, #tpu.memory_space<vmem>>, vector<16xf32>,
          %get3A_445 = arith.index_cast %add3A_435 : i32 to index
          %get3A_446 = arith.constant 48 : index
          %get3A_447 = tpu.vector_load %arg9[%get3A_445, %get3A_446] {strides = array<i32>} : memref<400x64xf32, #tpu.memory_space<vmem>>, vector<16xf32>,
          %mul3A_448 = arith.mulf %get3A_438, %get3A_438 : vector<16xf32>
          %mul3A_449 = arith.mulf %get3A_441, %get3A_441 : vector<16xf32>
          %add3A_450 = arith.addf %mul3A_448, %mul3A_449 : vector<16xf32>
          %mul3A_451 = arith.mulf %get3A_444, %get3A_444 : vector<16xf32>
          %add3A_452 = arith.addf %add3A_450, %mul3A_451 : vector<16xf32>
          %mul3A_453 = arith.mulf %get3A_447, %get3A_447 : vector<16xf32>
          %add3A_454 = arith.addf %add3A_452, %mul3A_453 : vector<16xf32>
          %mul3A_455 = arith.constant 400 : i32
          %mul3A_456 = arith.muli %add3A_58, %mul3A_455 : i32
          %add3A_457 = arith.addi %mul3A_456, %add3A_435 : i32
          %broadcast_in_dim3A_458 = vector.broadcast %add3A_457 : i32 to vector<16xi32>
          %gather3A_459 = tpu.vector_load_idx %arg7[%broadcast_in_dim3A_458] : memref<32000xf32, #tpu.memory_space<vmem>>[vector<16xi32>], vector<16xf32>,
          %xor3A_460 = arith.constant 8 : i32
          %xor3A_461 = vector.broadcast %xor3A_460 : i32 to vector<16xi32>
          %xor3A_462 = arith.xori %iota3A, %xor3A_461 : vector<16xi32>
          %broadcast_in_dim3A_463 = vector.shape_cast %xor3A_462 : vector<16xi32> to vector<16x1xi32>
          %gather3A_464 = vector.shape_cast %broadcast_in_dim3A_463 : vector<16x1xi32> to vector<16xi32>
          %gather3A_465 = tpu.dynamic_gather %add3A_454[%gather3A_464] in [0] : vector<16xf32>, vector<16xi32> -> vector<16xf32>
          %add3A_466 = arith.addf %add3A_454, %gather3A_465 : vector<16xf32>
          %xor3A_467 = arith.constant 4 : i32
          %xor3A_468 = vector.broadcast %xor3A_467 : i32 to vector<16xi32>
          %xor3A_469 = arith.xori %iota3A, %xor3A_468 : vector<16xi32>
          %broadcast_in_dim3A_470 = vector.shape_cast %xor3A_469 : vector<16xi32> to vector<16x1xi32>
          %gather3A_471 = vector.shape_cast %broadcast_in_dim3A_470 : vector<16x1xi32> to vector<16xi32>
          %gather3A_472 = tpu.dynamic_gather %add3A_466[%gather3A_471] in [0] : vector<16xf32>, vector<16xi32> -> vector<16xf32>
          %add3A_473 = arith.addf %add3A_466, %gather3A_472 : vector<16xf32>
          %xor3A_474 = arith.constant 2 : i32
          %xor3A_475 = vector.broadcast %xor3A_474 : i32 to vector<16xi32>
          %xor3A_476 = arith.xori %iota3A, %xor3A_475 : vector<16xi32>
          %broadcast_in_dim3A_477 = vector.shape_cast %xor3A_476 : vector<16xi32> to vector<16x1xi32>
          %gather3A_478 = vector.shape_cast %broadcast_in_dim3A_477 : vector<16x1xi32> to vector<16xi32>
          %gather3A_479 = tpu.dynamic_gather %add3A_473[%gather3A_478] in [0] : vector<16xf32>, vector<16xi32> -> vector<16xf32>
          %add3A_480 = arith.addf %add3A_473, %gather3A_479 : vector<16xf32>
          %xor3A_481 = arith.constant 1 : i32
          %xor3A_482 = vector.broadcast %xor3A_481 : i32 to vector<16xi32>
          %xor3A_483 = arith.xori %iota3A, %xor3A_482 : vector<16xi32>
          %broadcast_in_dim3A_484 = vector.shape_cast %xor3A_483 : vector<16xi32> to vector<16x1xi32>
          %gather3A_485 = vector.shape_cast %broadcast_in_dim3A_484 : vector<16x1xi32> to vector<16xi32>
          %gather3A_486 = tpu.dynamic_gather %add3A_480[%gather3A_485] in [0] : vector<16xf32>, vector<16xi32> -> vector<16xf32>
          %add3A_487 = arith.addf %add3A_480, %gather3A_486 : vector<16xf32>
          %mul3A_488 = arith.constant 5.000000e-01 : f32
          %mul3A_489 = vector.broadcast %mul3A_488 : f32 to vector<16xf32>
          %mul3A_490 = arith.mulf %add3A_487, %mul3A_489 : vector<16xf32>
          %bitcast_convert_type3A_491 = tpu.bitcast %add3A_487 : vector<16xf32> -> vector<16xi32>
          %shift_right_logical3A_492 = arith.constant 1 : i32
          %shift_right_logical3A_493 = vector.broadcast %shift_right_logical3A_492 : i32 to vector<16xi32>
          %shift_right_logical3A_494 = arith.shrui %bitcast_convert_type3A_491, %shift_right_logical3A_493 : vector<16xi32>
          %sub3A_495 = arith.constant 1597463007 : i32
          %sub3A_496 = vector.broadcast %sub3A_495 : i32 to vector<16xi32>
          %sub3A_497 = arith.subi %sub3A_496, %shift_right_logical3A_494 : vector<16xi32>
          %bitcast_convert_type3A_498 = tpu.bitcast %sub3A_497 : vector<16xi32> -> vector<16xf32>
          %mul3A_499 = arith.mulf %mul3A_490, %bitcast_convert_type3A_498 : vector<16xf32>
          %mul3A_500 = arith.mulf %mul3A_499, %bitcast_convert_type3A_498 : vector<16xf32>
          %sub3A_501 = arith.constant 1.500000e+00 : f32
          %sub3A_502 = vector.broadcast %sub3A_501 : f32 to vector<16xf32>
          %sub3A_503 = arith.subf %sub3A_502, %mul3A_500 : vector<16xf32>
          %mul3A_504 = arith.mulf %bitcast_convert_type3A_498, %sub3A_503 : vector<16xf32>
          %mul3A_505 = arith.mulf %mul3A_504, %gather3A_459 : vector<16xf32>
          %mul3A_506 = arith.mulf %get3A_438, %mul3A_505 : vector<16xf32>
          %add3A_507 = arith.addf %add3A_422, %mul3A_506 : vector<16xf32>
          %mul3A_508 = arith.mulf %get3A_441, %mul3A_505 : vector<16xf32>
          %add3A_509 = arith.addf %add3A_424, %mul3A_508 : vector<16xf32>
          %mul3A_510 = arith.mulf %get3A_444, %mul3A_505 : vector<16xf32>
          %add3A_511 = arith.addf %add3A_426, %mul3A_510 : vector<16xf32>
          %mul3A_512 = arith.mulf %get3A_447, %mul3A_505 : vector<16xf32>
          %add3A_513 = arith.addf %add3A_428, %mul3A_512 : vector<16xf32>
          %mul3A_514 = arith.constant 50 : i32
          %mul3A_515 = arith.muli %scan3A_89, %mul3A_514 : i32
          %mul3A_516 = arith.constant 5 : i32
          %mul3A_517 = arith.muli %scan3A_171, %mul3A_516 : i32
          %add3A_518 = arith.addi %mul3A_515, %mul3A_517 : i32
          %add3A_519 = arith.constant 4 : i32
          %add3A_520 = arith.addi %add3A_518, %add3A_519 : i32
          %get3A_521 = arith.index_cast %add3A_520 : i32 to index
          %get3A_522 = arith.constant 0 : index
          %get3A_523 = tpu.vector_load %arg9[%get3A_521, %get3A_522] {strides = array<i32>} : memref<400x64xf32, #tpu.memory_space<vmem>>, vector<16xf32>,
          %get3A_524 = arith.index_cast %add3A_520 : i32 to index
          %get3A_525 = arith.constant 16 : index
          %get3A_526 = tpu.vector_load %arg9[%get3A_524, %get3A_525] {strides = array<i32>} : memref<400x64xf32, #tpu.memory_space<vmem>>, vector<16xf32>,
          %get3A_527 = arith.index_cast %add3A_520 : i32 to index
          %get3A_528 = arith.constant 32 : index
          %get3A_529 = tpu.vector_load %arg9[%get3A_527, %get3A_528] {strides = array<i32>} : memref<400x64xf32, #tpu.memory_space<vmem>>, vector<16xf32>,
          %get3A_530 = arith.index_cast %add3A_520 : i32 to index
          %get3A_531 = arith.constant 48 : index
          %get3A_532 = tpu.vector_load %arg9[%get3A_530, %get3A_531] {strides = array<i32>} : memref<400x64xf32, #tpu.memory_space<vmem>>, vector<16xf32>,
          %mul3A_533 = arith.mulf %get3A_523, %get3A_523 : vector<16xf32>
          %mul3A_534 = arith.mulf %get3A_526, %get3A_526 : vector<16xf32>
          %add3A_535 = arith.addf %mul3A_533, %mul3A_534 : vector<16xf32>
          %mul3A_536 = arith.mulf %get3A_529, %get3A_529 : vector<16xf32>
          %add3A_537 = arith.addf %add3A_535, %mul3A_536 : vector<16xf32>
          %mul3A_538 = arith.mulf %get3A_532, %get3A_532 : vector<16xf32>
          %add3A_539 = arith.addf %add3A_537, %mul3A_538 : vector<16xf32>
          %mul3A_540 = arith.constant 400 : i32
          %mul3A_541 = arith.muli %add3A_58, %mul3A_540 : i32
          %add3A_542 = arith.addi %mul3A_541, %add3A_520 : i32
          %broadcast_in_dim3A_543 = vector.broadcast %add3A_542 : i32 to vector<16xi32>
          %gather3A_544 = tpu.vector_load_idx %arg7[%broadcast_in_dim3A_543] : memref<32000xf32, #tpu.memory_space<vmem>>[vector<16xi32>], vector<16xf32>,
          %xor3A_545 = arith.constant 8 : i32
          %xor3A_546 = vector.broadcast %xor3A_545 : i32 to vector<16xi32>
          %xor3A_547 = arith.xori %iota3A, %xor3A_546 : vector<16xi32>
          %broadcast_in_dim3A_548 = vector.shape_cast %xor3A_547 : vector<16xi32> to vector<16x1xi32>
          %gather3A_549 = vector.shape_cast %broadcast_in_dim3A_548 : vector<16x1xi32> to vector<16xi32>
          %gather3A_550 = tpu.dynamic_gather %add3A_539[%gather3A_549] in [0] : vector<16xf32>, vector<16xi32> -> vector<16xf32>
          %add3A_551 = arith.addf %add3A_539, %gather3A_550 : vector<16xf32>
          %xor3A_552 = arith.constant 4 : i32
          %xor3A_553 = vector.broadcast %xor3A_552 : i32 to vector<16xi32>
          %xor3A_554 = arith.xori %iota3A, %xor3A_553 : vector<16xi32>
          %broadcast_in_dim3A_555 = vector.shape_cast %xor3A_554 : vector<16xi32> to vector<16x1xi32>
          %gather3A_556 = vector.shape_cast %broadcast_in_dim3A_555 : vector<16x1xi32> to vector<16xi32>
          %gather3A_557 = tpu.dynamic_gather %add3A_551[%gather3A_556] in [0] : vector<16xf32>, vector<16xi32> -> vector<16xf32>
          %add3A_558 = arith.addf %add3A_551, %gather3A_557 : vector<16xf32>
          %xor3A_559 = arith.constant 2 : i32
          %xor3A_560 = vector.broadcast %xor3A_559 : i32 to vector<16xi32>
          %xor3A_561 = arith.xori %iota3A, %xor3A_560 : vector<16xi32>
          %broadcast_in_dim3A_562 = vector.shape_cast %xor3A_561 : vector<16xi32> to vector<16x1xi32>
          %gather3A_563 = vector.shape_cast %broadcast_in_dim3A_562 : vector<16x1xi32> to vector<16xi32>
          %gather3A_564 = tpu.dynamic_gather %add3A_558[%gather3A_563] in [0] : vector<16xf32>, vector<16xi32> -> vector<16xf32>
          %add3A_565 = arith.addf %add3A_558, %gather3A_564 : vector<16xf32>
          %xor3A_566 = arith.constant 1 : i32
          %xor3A_567 = vector.broadcast %xor3A_566 : i32 to vector<16xi32>
          %xor3A_568 = arith.xori %iota3A, %xor3A_567 : vector<16xi32>
          %broadcast_in_dim3A_569 = vector.shape_cast %xor3A_568 : vector<16xi32> to vector<16x1xi32>
          %gather3A_570 = vector.shape_cast %broadcast_in_dim3A_569 : vector<16x1xi32> to vector<16xi32>
          %gather3A_571 = tpu.dynamic_gather %add3A_565[%gather3A_570] in [0] : vector<16xf32>, vector<16xi32> -> vector<16xf32>
          %add3A_572 = arith.addf %add3A_565, %gather3A_571 : vector<16xf32>
          %mul3A_573 = arith.constant 5.000000e-01 : f32
          %mul3A_574 = vector.broadcast %mul3A_573 : f32 to vector<16xf32>
          %mul3A_575 = arith.mulf %add3A_572, %mul3A_574 : vector<16xf32>
          %bitcast_convert_type3A_576 = tpu.bitcast %add3A_572 : vector<16xf32> -> vector<16xi32>
          %shift_right_logical3A_577 = arith.constant 1 : i32
          %shift_right_logical3A_578 = vector.broadcast %shift_right_logical3A_577 : i32 to vector<16xi32>
          %shift_right_logical3A_579 = arith.shrui %bitcast_convert_type3A_576, %shift_right_logical3A_578 : vector<16xi32>
          %sub3A_580 = arith.constant 1597463007 : i32
          %sub3A_581 = vector.broadcast %sub3A_580 : i32 to vector<16xi32>
          %sub3A_582 = arith.subi %sub3A_581, %shift_right_logical3A_579 : vector<16xi32>
          %bitcast_convert_type3A_583 = tpu.bitcast %sub3A_582 : vector<16xi32> -> vector<16xf32>
          %mul3A_584 = arith.mulf %mul3A_575, %bitcast_convert_type3A_583 : vector<16xf32>
          %mul3A_585 = arith.mulf %mul3A_584, %bitcast_convert_type3A_583 : vector<16xf32>
          %sub3A_586 = arith.constant 1.500000e+00 : f32
          %sub3A_587 = vector.broadcast %sub3A_586 : f32 to vector<16xf32>
          %sub3A_588 = arith.subf %sub3A_587, %mul3A_585 : vector<16xf32>
          %mul3A_589 = arith.mulf %bitcast_convert_type3A_583, %sub3A_588 : vector<16xf32>
          %mul3A_590 = arith.mulf %mul3A_589, %gather3A_544 : vector<16xf32>
          %mul3A_591 = arith.mulf %get3A_523, %mul3A_590 : vector<16xf32>
          %add3A_592 = arith.addf %add3A_507, %mul3A_591 : vector<16xf32>
          %mul3A_593 = arith.mulf %get3A_526, %mul3A_590 : vector<16xf32>
          %add3A_594 = arith.addf %add3A_509, %mul3A_593 : vector<16xf32>
          %mul3A_595 = arith.mulf %get3A_529, %mul3A_590 : vector<16xf32>
          %add3A_596 = arith.addf %add3A_511, %mul3A_595 : vector<16xf32>
          %mul3A_597 = arith.mulf %get3A_532, %mul3A_590 : vector<16xf32>
          %add3A_598 = arith.addf %add3A_513, %mul3A_597 : vector<16xf32>
          scf.yield %add3A_592, %add3A_594, %add3A_596, %add3A_598 : vector<16xf32>, vector<16xf32>, vector<16xf32>, vector<16xf32>
        }
        %scan3A_97 = arith.constant 10 : i32
        %mul3A_98 = arith.constant 400 : i32
        %mul3A_99 = arith.muli %add3A_58, %mul3A_98 : i32
        %mul3A_100 = arith.constant 50 : i32
        %mul3A_101 = arith.muli %scan3A_89, %mul3A_100 : i32
        %add3A_102 = arith.addi %mul3A_99, %mul3A_101 : i32
        %get3A = arith.index_cast %add3A_102 : i32 to index
        %get3A_103 = tpu.vector_load %arg7[%get3A] {strides = array<i32>} : memref<32000xf32, #tpu.memory_space<vmem>>, vector<16xf32>,
        %add3A_104 = arith.constant 16 : i32
        %add3A_105 = arith.addi %add3A_102, %add3A_104 : i32
        %get3A_106 = arith.index_cast %add3A_105 : i32 to index
        %get3A_107 = tpu.vector_load %arg7[%get3A_106] {strides = array<i32>} : memref<32000xf32, #tpu.memory_space<vmem>>, vector<16xf32>,
        %add3A_108 = arith.addf %get3A_103, %get3A_107 : vector<16xf32>
        %add3A_109 = arith.constant 32 : i32
        %add3A_110 = arith.addi %add3A_102, %add3A_109 : i32
        %get3A_111 = arith.index_cast %add3A_110 : i32 to index
        %get3A_112 = tpu.vector_load %arg7[%get3A_111] {strides = array<i32>} : memref<32000xf32, #tpu.memory_space<vmem>>, vector<16xf32>,
        %add3A_113 = arith.addf %add3A_108, %get3A_112 : vector<16xf32>
        %ge3A = arith.constant 14 : i32
        %ge3A_114 = vector.broadcast %ge3A : i32 to vector<16xi32>
        %ge3A_115 = arith.cmpi sge, %iota3A, %ge3A_114 : vector<16xi32>
        %add3A_116 = arith.constant 34 : i32
        %add3A_117 = arith.addi %add3A_102, %add3A_116 : i32
        %get3A_118 = arith.index_cast %add3A_117 : i32 to index
        %get3A_119 = tpu.vector_load %arg7[%get3A_118] {strides = array<i32>} : memref<32000xf32, #tpu.memory_space<vmem>>, vector<16xf32>,
        %jit3A = arith.constant 0.000000e+00 : f32
        %broadcast_in_dim3A_120 = vector.broadcast %jit3A : f32 to vector<16xf32>
        %select_n3A = arith.select %ge3A_115, %get3A_119, %broadcast_in_dim3A_120 : vector<16xi1>, vector<16xf32>
        %add3A_121 = arith.addf %add3A_113, %select_n3A : vector<16xf32>
        %xor3A = arith.constant 8 : i32
        %xor3A_122 = vector.broadcast %xor3A : i32 to vector<16xi32>
        %xor3A_123 = arith.xori %iota3A, %xor3A_122 : vector<16xi32>
        %broadcast_in_dim3A_124 = vector.shape_cast %xor3A_123 : vector<16xi32> to vector<16x1xi32>
        %gather3A = vector.shape_cast %broadcast_in_dim3A_124 : vector<16x1xi32> to vector<16xi32>
        %gather3A_125 = tpu.dynamic_gather %add3A_121[%gather3A] in [0] : vector<16xf32>, vector<16xi32> -> vector<16xf32>
        %add3A_126 = arith.addf %add3A_121, %gather3A_125 : vector<16xf32>
        %xor3A_127 = arith.constant 4 : i32
        %xor3A_128 = vector.broadcast %xor3A_127 : i32 to vector<16xi32>
        %xor3A_129 = arith.xori %iota3A, %xor3A_128 : vector<16xi32>
        %broadcast_in_dim3A_130 = vector.shape_cast %xor3A_129 : vector<16xi32> to vector<16x1xi32>
        %gather3A_131 = vector.shape_cast %broadcast_in_dim3A_130 : vector<16x1xi32> to vector<16xi32>
        %gather3A_132 = tpu.dynamic_gather %add3A_126[%gather3A_131] in [0] : vector<16xf32>, vector<16xi32> -> vector<16xf32>
        %add3A_133 = arith.addf %add3A_126, %gather3A_132 : vector<16xf32>
        %xor3A_134 = arith.constant 2 : i32
        %xor3A_135 = vector.broadcast %xor3A_134 : i32 to vector<16xi32>
        %xor3A_136 = arith.xori %iota3A, %xor3A_135 : vector<16xi32>
        %broadcast_in_dim3A_137 = vector.shape_cast %xor3A_136 : vector<16xi32> to vector<16x1xi32>
        %gather3A_138 = vector.shape_cast %broadcast_in_dim3A_137 : vector<16x1xi32> to vector<16xi32>
        %gather3A_139 = tpu.dynamic_gather %add3A_133[%gather3A_138] in [0] : vector<16xf32>, vector<16xi32> -> vector<16xf32>
        %add3A_140 = arith.addf %add3A_133, %gather3A_139 : vector<16xf32>
        %xor3A_141 = arith.constant 1 : i32
        %xor3A_142 = vector.broadcast %xor3A_141 : i32 to vector<16xi32>
        %xor3A_143 = arith.xori %iota3A, %xor3A_142 : vector<16xi32>
        %broadcast_in_dim3A_144 = vector.shape_cast %xor3A_143 : vector<16xi32> to vector<16x1xi32>
        %gather3A_145 = vector.shape_cast %broadcast_in_dim3A_144 : vector<16x1xi32> to vector<16xi32>
        %gather3A_146 = tpu.dynamic_gather %add3A_140[%gather3A_145] in [0] : vector<16xf32>, vector<16xi32> -> vector<16xf32>
        %add3A_147 = arith.addf %add3A_140, %gather3A_146 : vector<16xf32>
        %gt3A = arith.constant 0.000000e+00 : f32
        %gt3A_148 = vector.broadcast %gt3A : f32 to vector<16xf32>
        %gt3A_149 = arith.cmpf ogt, %add3A_147, %gt3A_148 : vector<16xf32>
        %div3A = arith.constant 1.000000e+00 : f32
        %div3A_150 = vector.broadcast %div3A : f32 to vector<16xf32>
        %div3A_151 = arith.divf %div3A_150, %add3A_147 : vector<16xf32>
        %jit3A_152 = arith.constant 0.000000e+00 : f32
        %broadcast_in_dim3A_153 = vector.broadcast %jit3A_152 : f32 to vector<16xf32>
        %select_n3A_154 = arith.select %gt3A_149, %div3A_151, %broadcast_in_dim3A_153 : vector<16xi1>, vector<16xf32>
        %mul3A_155 = arith.mulf %scan3A_96#0, %select_n3A_154 : vector<16xf32>
        %swap3A = arith.index_cast %scan3A_89 : i32 to index
        %swap3A_156 = arith.constant 0 : index
        %swap3A_157 = tpu.vector_load %arg10[%swap3A, %swap3A_156] {strides = array<i32>} : memref<8x64xf32, #tpu.memory_space<vmem>>, vector<16xf32>,
        tpu.vector_store %arg10[%swap3A, %swap3A_156], %mul3A_155 {strides = array<i32>} : memref<8x64xf32, #tpu.memory_space<vmem>>, vector<16xf32>,
        %mul3A_158 = arith.mulf %scan3A_96#1, %select_n3A_154 : vector<16xf32>
        %swap3A_159 = arith.index_cast %scan3A_89 : i32 to index
        %swap3A_160 = arith.constant 16 : index
        %swap3A_161 = tpu.vector_load %arg10[%swap3A_159, %swap3A_160] {strides = array<i32>} : memref<8x64xf32, #tpu.memory_space<vmem>>, vector<16xf32>,
        tpu.vector_store %arg10[%swap3A_159, %swap3A_160], %mul3A_158 {strides = array<i32>} : memref<8x64xf32, #tpu.memory_space<vmem>>, vector<16xf32>,
        %mul3A_162 = arith.mulf %scan3A_96#2, %select_n3A_154 : vector<16xf32>
        %swap3A_163 = arith.index_cast %scan3A_89 : i32 to index
        %swap3A_164 = arith.constant 32 : index
        %swap3A_165 = tpu.vector_load %arg10[%swap3A_163, %swap3A_164] {strides = array<i32>} : memref<8x64xf32, #tpu.memory_space<vmem>>, vector<16xf32>,
        tpu.vector_store %arg10[%swap3A_163, %swap3A_164], %mul3A_162 {strides = array<i32>} : memref<8x64xf32, #tpu.memory_space<vmem>>, vector<16xf32>,
        %mul3A_166 = arith.mulf %scan3A_96#3, %select_n3A_154 : vector<16xf32>
        %swap3A_167 = arith.index_cast %scan3A_89 : i32 to index
        %swap3A_168 = arith.constant 48 : index
        %swap3A_169 = tpu.vector_load %arg10[%swap3A_167, %swap3A_168] {strides = array<i32>} : memref<8x64xf32, #tpu.memory_space<vmem>>, vector<16xf32>,
        tpu.vector_store %arg10[%swap3A_167, %swap3A_168], %mul3A_166 {strides = array<i32>} : memref<8x64xf32, #tpu.memory_space<vmem>>, vector<16xf32>,
        %scan3A_170 = arith.constant 0 : i32
        scf.yield %scan3A_170 : i32
      }
      %scan3A_83 = arith.constant 8 : i32
      %mul3A_84 = arith.constant 8 : i32
      %mul3A_85 = arith.muli %add3A_58, %mul3A_84 : i32
      %add3A_86 = arith.addi %mul3A_2, %mul3A_85 : i32
      %multiple_of3A_87 = tpu.assume_multiple %add3A_86, 8 : i32
      "tpu.region"() ({
        %run_scoped3A = tpu.sem_alloc : memref<!tpu.dma_semaphore, #tpu.memory_space<semaphore_mem>>
        %dma_start3A_89 = arith.constant 0 : i32
        %dma_start3A_90 = tpu.memref_slice %arg5[%multiple_of3A_87, %dma_start3A_89] : memref<20480x64xf32, #tpu.memory_space<hbm>> -> memref<8x64xf32, #tpu.memory_space<hbm>>
        %dma_start3A_91 = arith.constant 0 : i32
        %dma_start3A_92 = tpu.memref_slice %arg5[%multiple_of3A_87, %dma_start3A_91] : memref<20480x64xf32, #tpu.memory_space<hbm>> -> memref<8x64xf32, #tpu.memory_space<hbm>>
        tpu.enqueue_dma source(%arg10 : memref<8x64xf32, #tpu.memory_space<vmem>>) target(%dma_start3A_92 : memref<8x64xf32, #tpu.memory_space<hbm>>) target_semaphore(%run_scoped3A : memref<!tpu.dma_semaphore, #tpu.memory_space<semaphore_mem>>)
        %dma_wait3A_93 = arith.constant 0 : i32
        %dma_wait3A_94 = tpu.memref_slice %arg5[%multiple_of3A_87, %dma_wait3A_93] : memref<20480x64xf32, #tpu.memory_space<hbm>> -> memref<8x64xf32, #tpu.memory_space<hbm>>
        %dma_wait3A_95 = arith.constant 0 : i32
        %dma_wait3A_96 = tpu.memref_slice %arg5[%multiple_of3A_87, %dma_wait3A_95] : memref<20480x64xf32, #tpu.memory_space<hbm>> -> memref<8x64xf32, #tpu.memory_space<hbm>>
        tpu.wait_dma2 semaphore(%run_scoped3A : memref<!tpu.dma_semaphore, #tpu.memory_space<semaphore_mem>>) src(%arg10 : memref<8x64xf32, #tpu.memory_space<vmem>>) dst(%dma_wait3A_96 : memref<8x64xf32, #tpu.memory_space<hbm>>)
        tpu.yield
      }) : () -> ()
      %scan3A_88 = arith.constant 0 : i32
      scf.yield %scan3A_88 : i32
    }
    %scan3A_17 = arith.constant 40 : i32
    %dma_wait3A = arith.constant 31600 : i32
    %dma_wait3A_18 = tpu.memref_slice %arg6[%dma_wait3A] : memref<32000xi32, #tpu.memory_space<vmem>> -> memref<400xi32, #tpu.memory_space<vmem>>
    %dma_wait3A_19 = arith.constant 0 : i32
    %dma_wait3A_20 = arith.constant 0 : i32
    %dma_wait3A_21 = tpu.memref_slice %arg4[%dma_wait3A_19, %dma_wait3A_20] : memref<1000000x64xf32, #tpu.memory_space<hbm>> -> memref<1000000x64xf32, #tpu.memory_space<hbm>>
    tpu.wait_indirect_dma semaphore(%arg11 : memref<!tpu.dma_semaphore, #tpu.memory_space<semaphore_mem>>) src(%dma_wait3A_21 : memref<1000000x64xf32, #tpu.memory_space<hbm>>) dst(%arg8 : memref<400x64xf32, #tpu.memory_space<vmem>>)
    return
  }
}

</mosaic_0001>

<sc_bundles>
// kernel: kernel.3.cloned.1.call-start
scs
__scs_entry_jumppad:
0x0: {  	(pc) =	sbr.rel $0x88, $3  }
0x1: {  	(tag) =	ssettag $0x0;
	lr =	simm.s32 $0x1  }
0x2: {  	[smem:$0x3F9E] =	sst lr;
	_ =	strace $0xD0000000  }
0x3: {  	_ = 	snop  }
0x4: {  	_ = 	snop  }
0x5: {  	_ = 	snop  }
0x6: {  	_ = 	snop  }
0x7: {  	_ = 	snop  }
__scs_overlays_trampoline_lowered:
0x8: {  	[smem:$0x3FAD] =	sst s0  }
0x9: {  	[smem:$0x3FAE] =	sst s1  }
0xa: {  	[smem:$0x3FAF] =	sst s2  }
0xb: {  	[smem:$0x3FB0] =	sst s3  }
0xc: {  	[smem:$0x3FB1] =	sst s4  }
0xd: {  	[smem:$0x3FB2] =	sst s5  }
0xe: {  	[smem:$0x3FB3] =	sst s6  }
0xf: {  	[smem:$0x3FB4] =	sst s7  }
0x10: {  	[smem:$0x3FB5] =	sst s8  }
0x11: {  	[smem:$0x3FB6] =	sst s9;
	s0 =	simm.s32 @!p0 $0x0  }
0x12: {  	s1 =	sld [smem:$0x3F9C];
	s0 =	simm.s32 @p0 $0x1  }
0x13: {  	[smem:$0x3FB7] =	sst s0;
	s0 =	simm.s32 @!p1 $0x0  }
0x14: {  	s2 =	sld [smem:$0x3F9B];
	s0 =	simm.s32 @p1 $0x1  }
0x15: {  	[smem:$0x3FB8] =	sst s0;
	s0 =	simm.s32 @!p2 $0x0  }
0x16: {  	s3 =	sld [smem:$0x3FDB];
	s0 =	simm.s32 @p2 $0x1  }
0x17: {  	s4 =	simm.s32 $0x1BF5;
	[smem:$0x3FBA] =	sst s0  }
0x18: {  	s0 =	sld [smem:$0x3F9D];
	_ =	swait.ge [sflag:s4], $0x0  }
0x19: {  	s7 =	sld [smem:$0x3F9E]  }
0x1a: {  	s8 =	sadd.s32 $0xFFFFE003, lr  }
0x1b: {  	s9 =	sadd.s32 $0xFFFFFEF7, lr;
	s5 =	simm.s32 $0xFFFFFFFF;
	p2 =	slt.u32 s8, $0xFFFFF086  }
0x1c: {  	p1 =	slt.u32 s9, $0xF7A;
	s5 =	simm.s32 @!p2 $0x0  }
0x1d: {  	s5 =	simm.s32 @p1 $0x1;
	p0 =	seq.s32 s7, s2  }
0x1e: {  	s7 =	smul.u32 @!p0 $0xF7A, s2;
	p2 =	seq.s32 @!p0 s5, $0x0  }
0x1f: {  	s9 =	smul.u32 $0xF7A, s1;
	s8 =	simm.s32 @!p0 $0x1BF5;
	p2 =	por !p2, p0  }
0x20: {  	[sflag:s8] =	ssyncset.s32 @!p0 $0xFFFFF086;
	s6 =	sadd.s32 @!p0 s3, s7;
	s7 =	simm.s32 @!p0 $0x108  }
0x21: {  	s3 =	sadd.s32 s3, s9;
	s6 =	sadd.s32 @!p0 $0x88, s6;
	s7 =	simm.s32 @p2 $0x1082  }
0x22: {  	[simem:s7], [sflag:s8] =	dma.local @!p0 [hbm:s6], $0xF7A  }
0x23: {  	s9 =	sor.u32 $0xD0000000, s2;
	s6 =	simm.s32 $0x108;
	_ =	swait.ge @!p0 [sflag:s8], $0x0  }
0x24: {  	s3 =	sadd.s32 $0x88, s3;
	s6 =	simm.s32 @!p1 $0x1082;
	[sflag:s4] =	ssyncset.s32 $0xFFFFF086  }
0x25: {  	[simem:s6], [sflag:s4] =	dma.local [hbm:s3], $0xF7A  }
0x26: {  	[smem:$0x3F9E] =	sst s1;
	(tag) =	ssettag s2;
	_ =	strace s9  }
0x27: {  	s1 =	sld [smem:$0x3FAE]  }
0x28: {  	s2 =	sld [smem:$0x3FAF]  }
0x29: {  	s4 =	sld [smem:$0x3FB1]  }
0x2a: {  	p0 =	seq.s32 s5, $0x0;
	s5 =	sld [smem:$0x3FB2]  }
0x2b: {  	s6 =	sld [smem:$0x3FB3]  }
0x2c: {  	s7 =	sld [smem:$0x3FB4]  }
0x2d: {  	s3 =	simm.s32 $0x108;
	s8 =	sld [smem:$0x3FB5]  }
0x2e: {  	s3 =	simm.s32 @!p0 $0x1082;
	s9 =	sld [smem:$0x3FB6]  }
0x2f: {  	lr =	sadd.s32 s0, s3;
	s0 =	sld [smem:$0x3FAD]  }
0x30: {  	s3 =	sld [smem:$0x3FB0]  }
0x31: {  	[smem:$0x3FB9] =	sst s10  }
0x32: {  	s10 =	sld [smem:$0x3FB7];
	_ =	sdelay $0x3  }
0x33: {  	p0 =	seq.s32 s10, $0x1;
	s10 =	sld [smem:$0x3FB9];
	_ =	sdelay $0x3  }
0x34: {  	[smem:$0x3FB9] =	sst s10  }
0x35: {  	s10 =	sld [smem:$0x3FB8];
	_ =	sdelay $0x3  }
0x36: {  	p1 =	seq.s32 s10, $0x1;
	s10 =	sld [smem:$0x3FB9];
	_ =	sdelay $0x3  }
0x37: {  	[smem:$0x3FB9] =	sst s10  }
0x38: {  	s10 =	sld [smem:$0x3FBA]  }
0x39: {  	_ = 	snop;
	(pc) =	sbr.ind lr, $3  }
0x3a: {  	_ = 	snop  }
0x3b: {  	_ = 	snop  }
0x3c: {  	p2 =	seq.s32 s10, $0x1;
	s10 =	sld [smem:$0x3FB9]  }
0x3d: {  	_ =	shalt  }
0x3e: {  	_ =	shalt  }
0x3f: {  	_ =	shalt  }
0x40: {  	_ =	shalt  }
0x41: {  	_ =	shalt  }
0x42: {  	_ =	shalt  }
0x43: {  	_ =	shalt  }
0x44: {  	_ =	shalt  }
0x45: {  	_ =	shalt  }
0x46: {  	_ =	shalt  }
0x47: {  	_ =	shalt  }
0x48: {  	_ =	shalt  }
0x49: {  	_ =	shalt  }
0x4a: {  	_ =	shalt  }
0x4b: {  	_ =	shalt  }
0x4c: {  	_ =	shalt  }
0x4d: {  	_ =	shalt  }
0x4e: {  	_ =	shalt  }
0x4f: {  	_ =	shalt  }
0x50: {  	_ =	shalt  }
0x51: {  	_ =	shalt  }
0x52: {  	_ =	shalt  }
0x53: {  	_ =	shalt  }
0x54: {  	_ =	shalt  }
0x55: {  	_ =	shalt  }
0x56: {  	_ =	shalt  }
0x57: {  	_ =	shalt  }
0x58: {  	_ =	shalt  }
0x59: {  	_ =	shalt  }
0x5a: {  	_ =	shalt  }
0x5b: {  	_ =	shalt  }
0x5c: {  	_ =	shalt  }
0x5d: {  	_ =	shalt  }
0x5e: {  	_ =	shalt  }
0x5f: {  	_ =	shalt  }
0x60: {  	_ =	shalt  }
0x61: {  	_ =	shalt  }
0x62: {  	_ =	shalt  }
0x63: {  	_ =	shalt  }
0x64: {  	_ =	shalt  }
0x65: {  	_ =	shalt  }
0x66: {  	_ =	shalt  }
0x67: {  	_ =	shalt  }
0x68: {  	_ =	shalt  }
0x69: {  	_ =	shalt  }
0x6a: {  	_ =	shalt  }
0x6b: {  	_ =	shalt  }
0x6c: {  	_ =	shalt  }
0x6d: {  	_ =	shalt  }
0x6e: {  	_ =	shalt  }
0x6f: {  	_ =	shalt  }
0x70: {  	_ =	shalt  }
0x71: {  	_ =	shalt  }
0x72: {  	_ =	shalt  }
0x73: {  	_ =	shalt  }
0x74: {  	_ =	shalt  }
0x75: {  	_ =	shalt  }
0x76: {  	_ =	shalt  }
0x77: {  	_ =	shalt  }
0x78: {  	_ =	shalt  }
0x79: {  	_ =	shalt  }
0x7a: {  	_ =	shalt  }
0x7b: {  	_ =	shalt  }
0x7c: {  	_ =	shalt  }
0x7d: {  	_ =	shalt  }
0x7e: {  	_ =	shalt  }
0x7f: {  	_ =	shalt  }
0x80: {  	_ =	shalt  }
0x81: {  	_ =	shalt  }
0x82: {  	_ =	shalt  }
0x83: {  	_ =	shalt  }
0x84: {  	_ =	shalt  }
0x85: {  	_ =	shalt  }
0x86: {  	_ =	shalt  }
0x87: {  	_ =	shalt  }
.Lfunc_end0:
.L_simem_size_0:
called_computation_lowered:
.L_overlay_start_0:
0x88: {  	s2 =	sld [smem:$0x3FD9]  }
0x89: {  	s3 =	sld [smem:$0x3FFE];
	_ =	sdelay $0x1  }
0x8a: {  	s1 =	srdreg.scid  }
0x8b: {  	s0 =	sand.u32 $0x1, s1  }
0x8c: {  	s17 =	sshll.u32 s0, $0xA;
	s2 =	sadd.s32 s3, s2  }
0x8d: {  	s2 =	sadd.s32 s2, s17  }
0x8e: {  	[smem:$0x3FC5] =	sst s2  }
0x8f: {  	_ = 	snop  }
0x90: {  	s2 =	sld [smem:$0x3FD0];
	(tm) =	ssettm $0x1  }
0x91: {  	s18 =	sld [smem:$0x3FFB];
	_ =	sdelay $0x3  }
0x92: {  	_ =	strace s18  }
0x93: {  	s3 =	sld [smem:$0x3FFC];
	_ =	sdelay $0x3  }
0x94: {  	_ =	strace s3  }
0x95: {  	s3 =	sld [smem:$0x3FFD];
	_ =	sdelay $0x3  }
0x96: {  	_ =	strace s3  }
0x97: {  	_ =	strace $0x8FFFFFFF  }
0x98: {  	s19 =	sld [smem:$0x3FDB];
	_ =	sdelay $0x1  }
0x99: {  	s4 =	simm.s32 $_scs_section_size  }
0x9a: {  	s5 =	simm.s32 $_size__tile_overlayer_lowered;
	s6 =	simm.s32 $_tile_overlayer_lowered  }
0x9b: {  	s22 =	simm.s32 $0x1BFF;
	s21 =	sshll.u32 s6, $0x1;
	s3 =	sadd.s32 s4, s19  }
0x9c: {  	s7 =	simm.s32 $0x0;
	s20 =	sshll.u32 s5, $0x1;
	s5 =	sadd.s32 s21, s3  }
0x9d: {  	[timem:s7], [sflag:s22] =	dma.local [hbm:s5], s20  }
0x9e: {  	_ =	swait.ge [sflag:s22], s20  }
0x9f: {  	s4 =	ssub.s32 $0x0, s20;
	[sflag:s22] =	ssyncset.done $0x0  }
0xa0: {  	[sflag:s22] =	ssyncadd.s32 s4;
	_ =	sdelay $0x1  }
0xa1: {  	s23 =	simm.s32 $0x1B8B  }
0xa2: {  	_ =	swait.ge [sflag:s23], $0x1  }
0xa3: {  	[sflag:s23] =	ssyncset.done $0x0  }
0xa4: {  	s25 =	simm.s32 $0x1B8E;
	s24 =	sld [smem:$0x3FFE];
	[sflag:s23] =	ssyncadd.s32 $0xFFFFFFFF  }
0xa5: {  	s26 =	simm.s32 $execute0_lowered;
	[smem:$0x3FD2] =	sst s25  }
0xa6: {  	s5 =	sshll.u32 s26, $0x1;
	_ =	strace $0x80000046;
	[dreg:$0x1] =	wrdreg $0xFFFFFFFF  }
0xa7: {  	s28 =	simm.s32 $_size_execute0_lowered;
	s3 =	sadd.s32 s3, s5;
	[dreg:$0x0] =	wrdreg $0x0  }
0xa8: {  	s5 =	sshll.u32 s28, $0x1;
	[dreg:$0x2] =	wrdreg s3  }
0xa9: {  	[dreg:$0x3] =	wrdreg s5  }
0xaa: {  	[dreg:$0x4] =	wrdreg $0xC0  }
0xab: {  	_ =	task [dreg:s7], $0x5FFFF  }
0xac: {  	[dreg:$0x1] =	wrdreg $0xFFFFFFFF  }
0xad: {  	[dreg:$0x0] =	wrdreg $0x60  }
0xae: {  	[dreg:$0x2] =	wrdreg s24  }
0xaf: {  	[dreg:$0x3] =	wrdreg s2  }
0xb0: {  	[dreg:$0x4] =	wrdreg $0x9  }
0xb1: {  	_ =	task.clear_ibuf [dreg:s7], $0x5FFFF;
	_ =	strace $0x90000046  }
0xb2: {  	s29 =	simm.s32 $0x9;
	_ =	strace $0x80000048  }
0xb3: {  	_ =	swait.ge [sflag:s29], $0x1  }
0xb4: {  	[sflag:s29] =	ssyncadd.s32 $0xFFFFFFFF  }
0xb5: {  	_ =	strace $0x90000048  }
0xb6: {  	_ =	sfence  }
0xb7: {  	s30 =	sld [smem:$0x0];
	_ =	sdelay $0x2  }
0xb8: {  	s31 =	sshll.u32 s1, $0xD;
	s1 =	sshrl.u32 s1, $0x2  }
0xb9: {  	s3 =	sand.u32 $0x4000, s31;
	s1 =	sadd.s32 s1, s30  }
0xba: {  	s0 =	sor.u32 s3, s0;
	s1 =	sshll.u32 s1, $0x11  }
0xbb: {  	s0 =	sor.u32 s1, s0  }
0xbc: {  	s0 =	sadd.s32 $0x8F2B, s0  }
0xbd: {  	[sflag:s0] =	ssyncadd.remote.s32 $0x1  }
0xbe: {  	_ =	sfence.sel $0xFFFF  }
0xbf: {  	[dreg:$0x0] =	wrdreg $0xFFFFFFFF;
	(pc) =	sbr.abs _section_cstart, $3  }
0xc0: {  	[dreg:$0x1] =	wrdreg $0xFFFFFFFF  }
0xc1: {  	_ =	task.clear_ibuf [dreg:s7], $0x2FFFF;
	_ =	strace $0x9FFFFFFF  }
0xc2: {  	(tm) =	ssettm $0x7FFFFFFF  }
0xc3: {  	_ =	shalt  }
tec
execute0_lowered:
.L_overlay_start_1:
0x0: {  	(tag) =	ssettag $0x1  }
0x1: {  	v0 =	vimm.s32 $0xFEDCBA98  }
0x2: {  	v1 =	vimm.s32 $0x76543210;
	v60 =	vimm.s32 $0xBA98FEDC;
	v3 =	vimm.s32 $0x32107654  }
0x3: {  	v4 =	vimm.s32 $0xDCFE98BA;
	v5 =	vimm.s32 $0x54761032;
	v6 =	vimm.s32 $0xEFCDAB89  }
0x4: {  	v7 =	vimm.s32 $0x67452301;
	v4 =	vunpack.c.l.s4.s8 v4;
	v5 =	vunpack.c.l.s4.s8 v5  }
0x5: {  	v0 =	vunpack.c.l.s4.s8 v0;
	v6 =	vunpack.c.l.s4.s8 v6;
	v7 =	vunpack.c.l.s4.s8 v7  }
0x6: {  	s1 =	srdreg.scid;
	s5 =	rddreg [dreg:$0x0];
	v1 =	vunpack.c.l.s4.s8 v1;
	v4 =	vunpack.c.0.s8.s32 v4;
	v5 =	vunpack.c.0.s8.s32 v5  }
0x7: {  	s0 =	stileid.u32;
	s2 =	rddreg [dreg:$0x1];
	s3 =	simm.s32 $0x0;
	v3 =	vunpack.c.l.s4.s8 v3;
	v6 =	vunpack.c.0.s8.s32 v6;
	v7 =	vunpack.c.0.s8.s32 v7  }
0x8: {  	s10 =	simm.s32 $0x7D00;
	s11 =	simm.s32 $0x190;
	s12 =	simm.s32 $0xFA00;
	v2 =	vunpack.c.0.s8.s32 v0;
	v0 =	vunpack.c.l.s4.s8 v60;
	v62 =	vcombine.low v5, v4  }
0x9: {  	s13 =	simm.s32 $0x15E00;
	s14 =	simm.s32 $0x1;
	[smem:$0x7FF] =	sst s3;
	v61 =	vunpack.c.0.s8.s32 v1;
	v63 =	vcombine.low v7, v6  }
0xa: {  	s4 =	sand.u32 $0x1, s1;
	s31 =	sshll.u32 s0, $0x1;
	_ =	strace $0x80000047;
	v3 =	vunpack.c.0.s8.s32 v3;
	v0 =	vunpack.c.0.s8.s32 v0;
	v8 =	vand.u32 $0xF, v2;
	[tilespmem:$0x1FFB0] =	vst v62  }
0xb: {  	s15 =	simm.s32 $0x1C200;
	s16 =	simm.s32 $0x2;
	s7 =	sor.u32 s4, s31;
	v21 =	vcombine.low v8, v61;
	v58 =	vand.u32 $0xF, v62;
	[tilespmem:$0x1FFC0] =	vst v63;
	v62 =	vand.u32 $0xF, v63  }
0xc: {  	s17 =	simm.s32 $0x0;
	s8 =	ssub.s32 $0x2, s4;
	s6 =	smul.u32 $0xFA0, s7;
	v0 =	vcombine.low v3, v0;
	[tilespmem:$0x1FFE0] =	vst v62  }
0xd: {  	s4 =	sadd.s32 $0xF42C00, s5;
	s9 =	sshrl.u32 s8, $0x1;
	s7 =	smul.u32 $0xA000, s7;
	[tilespmem:$0x1FFF0] =	vst v21  }
0xe: {  	s8 =	ssub.s32 s8, s9;
	s9 =	simm.s32 $0x3;
	s6 =	sadd.s32 s6, s5;
	[tilespmem:$0x1FFA0] =	vst v0;
	v20 =	vand.u32 $0xF, v0  }
0xf: {  	vm0 =	vmmov $0x3fff;
	s8 =	smax.u32 s8, $0x1;
	s5 =	sadd.s32 $0x1FC00, s6;
	s6 =	sadd.s32 $0x800, s6;
	[tilespmem:$0x1FFD0] =	vst v20  }
.LBB2_1:
0x10: {  	[tilespmem:s3], [sflag:$0x3] =	stream.linear.gather [hbm4b:s5+s3], $0x7D00, $0x38;
	[tilespmem:$0x1C400] =	vst v63  }
0x11: {  	_ =	swait.ge [sflag:s9], $0x7D00  }
0x12: {  	[sflag:s9] =	ssyncset.done $0x0  }
0x13: {  	[sflag:s9] =	ssyncadd.s32 $0xFFFF8300  }
0x14: {  	[tilespmem:s10], [sflag:$0x3] =	stream.linear.gather [hbm4b:s6+s3], $0x7D00, $0x38;
	[tilespmem:$0x1C400] =	vst v63  }
0x15: {  	_ =	swait.ge [sflag:s9], $0x7D00  }
0x16: {  	[sflag:s9] =	ssyncset.done $0x0  }
0x17: {  	s18 =	simm.s32 $0x0;
	s19 =	simm.s32 $0x0;
	[sflag:s9] =	ssyncadd.s32 $0xFFFF8300  }
0x18: {  	[tilespmem:s12], [sflag:$0x1] =	stream.indirect.gather [hbm4b:s4+s11], $0x40, s3, s11, $0xb8;
	[tilespmem:$0x1C400] =	vst v63  }
.LBB2_2:
0x19: {  	s20 =	sshllo.u32 s19, $0x1  }
0x1a: {  	s21 =	smul.u32 $0x640, s20;
	_ =	sdelay $0x1  }
0x1b: {  	s21 =	sshra.s32 s21, $0x2  }
0x1c: {  	[tilespmem:s13], [sflag:$0x2] =	stream.indirect.gather [hbm4b:s4+s11], $0x40, s21, s11, $0xb8;
	[tilespmem:$0x1C400] =	vst v63  }
0x1d: {  	s21 =	smul.u32 $0x320, s19  }
0x1e: {  	_ =	swait.ge [sflag:s14], $0x6400  }
0x1f: {  	s22 =	sshll.u32 s19, $0x1;
	s23 =	simm.s32 $0x0;
	[sflag:s14] =	ssyncset.done $0x0;
	v0 =	vmov s21  }
0x20: {  	s24 =	simm.s32 $0xFAA0;
	s25 =	smov.u32 s18;
	[sflag:s14] =	ssyncadd.s32 $0xFFFF9C00;
	[tilespmem:$0x1FF90] =	vst v0  }
.LBB2_3:
0x21: {  	v31 =	vld [tilespmem:s24+$0xFFFFFF70]  }
0x22: {  	v16 =	vld [tilespmem:s24+$0xFFFFFFB0]  }
0x23: {  	v24 =	vld [tilespmem:s24+$0xFFFFFFA0]  }
0x24: {  	v34 =	vld [tilespmem:s24+$0x80]  }
0x25: {  	v19 =	vld [tilespmem:s24+$0xFFFFFFC0]  }
0x26: {  	v36 =	vld [tilespmem:s24+$0x70]  }
0x27: {  	v63 =	vld [tilespmem:s24+$0xFFFFFFD0]  }
0x28: {  	v39 =	vld [tilespmem:s24+$0x20];
	v8 =	vmul.f32 v16, v16;
	v9 =	vmul.f32 v24, v24  }
0x29: {  	v0 =	vld [tilespmem:s24+$0x30]  }
0x2a: {  	v37 =	vld [tilespmem:s24+$0x40];
	v10 =	vmul.f32 v19, v19;
	v8 =	vadd.f32 v8, v9  }
0x2b: {  	v38 =	vld [tilespmem:s24+$0x60]  }
0x2c: {  	v32 =	vld [tilespmem:s24+$0xFFFFFF80];
	v9 =	vmul.f32 v63, v63;
	v8 =	vadd.f32 v10, v8  }
0x2d: {  	v35 =	vld [tilespmem:s24+$0xFFFFFF60]  }
0x2e: {  	v40 =	vld [tilespmem:s24+$0x50];
	v8 =	vadd.f32 v9, v8  }
0x2f: {  	v11 =	vld [tilespmem:s24+$0x90];
	v12 =	vmul.f32 v0, v0;
	v10 =	vmul.f32 v39, v39  }
0x30: {  	v33 =	vld [tilespmem:s24+$0xFFFFFF90];
	v18 =	vperm.xlane v8, v21  }
0x31: {  	v15 =	vld [tilespmem:s24+$0x0];
	v9 =	vadd.f32 v12, v10  }
0x32: {  	v10 =	vmul.f32 v36, v36;
	v12 =	vmul.f32 v38, v38;
	v8 =	vadd.f32 v18, v8;
	v18 =	vld [tilespmem:$0x1FFD0]  }
0x33: {  	v7 =	vld [tilespmem:s24+$0xFFFFFFF0];
	s29 =	sadd.s32 $0x140, s24;
	v13 =	vmul.f32 v31, v31;
	v14 =	vmul.f32 v37, v37  }
0x34: {  	v6 =	vld [tilespmem:s29+$0xFFFFFF70];
	v17 =	vmul.f32 v34, v34;
	v10 =	vadd.f32 v10, v12;
	v12 =	vmul.f32 v35, v35  }
0x35: {  	v20 =	vmul.f32 v40, v40;
	v9 =	vadd.f32 v14, v9;
	v14 =	vmul.f32 v32, v32  }
0x36: {  	v41 =	vld [tilespmem:s24+$0xFFFFFFE0];
	v10 =	vadd.f32 v17, v10;
	v17 =	vmul.f32 v11, v11;
	v12 =	vadd.f32 v13, v12  }
0x37: {  	v59 =	vmul.f32 v15, v15;
	v9 =	vadd.f32 v20, v9;
	v13 =	vperm.xlane v8, v18  }
0x38: {  	v5 =	vld [tilespmem:s29+$0x20];
	v20 =	vmul.f32 v33, v33;
	v10 =	vadd.f32 v17, v10;
	v12 =	vadd.f32 v14, v12  }
0x39: {  	v44 =	vmul.f32 v6, v6;
	v14 =	vmul.f32 v7, v7;
	v8 =	vadd.f32 v13, v8  }
0x3a: {  	s26 =	sadd.s32 $0x0, s25;
	v42 =	vld [tilespmem:s24+$0x10];
	v57 =	vperm.xlane v10, v21;
	v12 =	vadd.f32 v20, v12;
	v13 =	vperm.xlane v9, v21  }
0x3b: {  	v4 =	vmovc v21;
	v51 =	vmov s26;
	v21 =	vmul.f32 v41, v41;
	v22 =	vperm.xlane v8, v58  }
0x3c: {  	v10 =	vadd.f32 v57, v10;
	v9 =	vadd.f32 v13, v9;
	v13 =	vperm.xlane v12, v4  }
0x3d: {  	v3 =	vld [tilespmem:s29+$0x30];
	v49 =	vmul.f32 v5, v5;
	v14 =	vadd.f32 v14, v21;
	v8 =	vadd.f32 v22, v8  }
0x3e: {  	v21 =	vperm.xlane v9, v18;
	v22 =	vperm.xlane v10, v18;
	v12 =	vadd.f32 v13, v12  }
0x3f: {  	v13 =	vadd.f32 v59, v14;
	v14 =	vmul.f32 v42, v42;
	v60 =	vperm.xlane v8, v62  }
0x40: {  	s28 =	sadd.s32 $0x1, s26;
	v9 =	vadd.f32 v21, v9;
	v10 =	vadd.f32 v22, v10;
	v21 =	vperm.xlane v12, v18  }
0x41: {  	v20 =	vmov s28;
	v13 =	vadd.f32 v14, v13;
	v8 =	vadd.f32 v60, v8  }
0x42: {  	v53 =	vmul.f32 v3, v3;
	v14 =	vperm.xlane v10, v58;
	v12 =	vadd.f32 v21, v12  }
0x43: {  	[tilespmem:$0x1FEE0] =	vst v6;
	v6 =	vld [tilespmem:s29+$0xFFFFFFE0];
	v61 =	vperm.xlane v9, v58;
	v21 =	vperm.xlane v13, v4;
	v22 =	vshrl.u32 v8, $0x1  }
0x44: {  	v8 =	vmul.f32 $5.000000000e-01, v8;
	v23 =	vperm.xlane v12, v58;
	v10 =	vadd.f32 v14, v10  }
0x45: {  	v1 =	vld [tilespmem:s29+$0x40];
	[tilespmem:$0x1FF80] =	vst v0;
	v0 =	vadd.f32 v61, v9;
	v13 =	vadd.f32 v21, v13;
	v22 =	vsub.s32 $0x5F3759DF, v22  }
0x46: {  	v25 =	vld.idx.msk [tilespmem:v20+s10+$0x0], $0xffff;
	v8 =	vmul.f32 v22, v8;
	v20 =	vadd.f32 v23, v12;
	v12 =	vperm.xlane v10, v62  }
0x47: {  	v49 =	vadd.f32 v53, v49;
	v21 =	vperm.xlane v0, v62;
	v26 =	vperm.xlane v13, v18  }
0x48: {  	v59 =	vmul.f32 v6, v6;
	v23 =	vmul.f32 v22, v8;
	v29 =	vadd.f32 v12, v10  }
0x49: {  	v10 =	vperm.xlane v20, v62;
	v0 =	vadd.f32 v21, v0;
	v30 =	vadd.f32 v26, v13;
	v62 =	vld [tilespmem:s29+$0x50]  }
0x4a: {  	v26 =	vmul.f32 v1, v1;
	v21 =	vsub.f32 $1.500000000e+00, v23;
	v43 =	vmul.f32 $5.000000000e-01, v29  }
0x4b: {  	v2 =	vld [tilespmem:s29+$0x70];
	v23 =	vadd.f32 v10, v20;
	v13 =	vshrl.u32 v0, $0x1;
	v0 =	vmul.f32 $5.000000000e-01, v0  }
0x4c: {  	v20 =	vld [tilespmem:s29+$0xFFFFFFF0];
	v57 =	vshrl.u32 v29, $0x1;
	v45 =	vsub.s32 $0x5F3759DF, v13;
	v21 =	vmul.f32 v22, v21  }
0x4d: {  	[tilespmem:$0x1FF10] =	vst v3;
	v3 =	vld [tilespmem:s29+$0x80];
	v57 =	vsub.s32 $0x5F3759DF, v57;
	v22 =	vmul.f32 $5.000000000e-01, v23;
	v48 =	vmul.f32 v45, v0  }
0x4e: {  	[tilespmem:$0x1FF00] =	vst v5;
	v5 =	vld [tilespmem:s29+$0xFFFFFFA0];
	v23 =	vshrl.u32 v23, $0x1;
	v43 =	vmul.f32 v57, v43;
	v60 =	vmul.f32 v62, v62  }
0x4f: {  	v51 =	vld.idx.msk [tilespmem:v51+s10+$0x0], $0xffff;
	v47 =	vsub.s32 $0x5F3759DF, v23;
	v46 =	vmul.f32 v21, v25;
	v25 =	vperm.xlane v30, v58  }
0x50: {  	s28 =	sadd.s32 $0x4, s26;
	v49 =	vadd.f32 v26, v49;
	v0 =	vld [tilespmem:s29+$0x60];
	v50 =	vmul.f32 v47, v22;
	v48 =	vmul.f32 v45, v48  }
0x51: {  	v54 =	vmov s28;
	v21 =	vld [tilespmem:s29+$0x0];
	v43 =	vmul.f32 v57, v43;
	v53 =	vmul.f32 v20, v20  }
0x52: {  	v23 =	vld [tilespmem:s29+$0xFFFFFFB0];
	v49 =	vadd.f32 v60, v49;
	v60 =	vmul.f32 v3, v3;
	v52 =	vmul.f32 v46, v16  }
0x53: {  	[tilespmem:$0x1FEF0] =	vst v1;
	v26 =	vld [tilespmem:s29+$0xFFFFFFD0];
	v55 =	vmul.f32 v46, v19;
	v50 =	vmul.f32 v47, v50;
	v61 =	vadd.f32 v25, v30  }
0x54: {  	[tilespmem:$0x1FF40] =	vst v2;
	v29 =	vld [tilespmem:s29+$0xFFFFFFC0];
	v25 =	vmul.f32 v2, v2;
	v2 =	vmul.f32 v5, v5;
	v1 =	vsub.f32 $1.500000000e+00, v48  }
0x55: {  	[tilespmem:$0x1FF30] =	vst v62;
	v30 =	vmul.f32 v0, v0;
	v53 =	vadd.f32 v53, v59;
	v59 =	vmul.f32 v46, v63;
	v63 =	vld [tilespmem:$0x1FFE0]  }
0x56: {  	v43 =	vsub.f32 $1.500000000e+00, v43;
	[tilespmem:$0x1FF50] =	vst v0;
	v0 =	vld [tilespmem:s29+$0xFFFFFF80];
	v50 =	vsub.f32 $1.500000000e+00, v50;
	v56 =	vmul.f32 v21, v21  }
0x57: {  	v19 =	vmovc v58;
	v46 =	vmul.f32 v46, v24;
	v58 =	vmul.f32 v23, v23;
	v62 =	vadd.f32 v25, v30;
	v25 =	vld [tilespmem:s29+$0xFFFFFF60]  }
0x58: {  	v43 =	vmul.f32 v57, v43;
	v30 =	vld [tilespmem:s29+$0x90];
	v47 =	vmul.f32 v47, v50;
	v53 =	vadd.f32 v56, v53  }
0x59: {  	s28 =	sadd.s32 $0x3, s26;
	v56 =	vadd.f32 v58, v2;
	v50 =	vadd.f32 v60, v62;
	v60 =	vmul.f32 v29, v29  }
0x5a: {  	v58 =	vmov s28;
	v48 =	vperm.xlane v61, v63;
	v47 =	vmul.f32 v47, v51  }
0x5b: {  	v51 =	vmul.f32 v26, v26;
	v57 =	vmul.f32 v0, v0;
	v56 =	vadd.f32 v60, v56  }
0x5c: {  	[tilespmem:$0x1FF70] =	vst v3;
	v48 =	vadd.f32 v48, v61;
	v61 =	vmul.f32 v45, v1;
	v1 =	vld [tilespmem:s29+$0xFFFFFF90];
	v3 =	vmul.f32 v25, v25  }
0x5d: {  	v60 =	vimm.f32 $0.0e+00;
	v2 =	vmul.f32 v30, v30;
	v62 =	vmul.f32 v47, v31  }
0x5e: {  	v35 =	vmul.f32 v47, v35;
	v33 =	vmul.f32 v47, v33;
	v51 =	vadd.f32 v51, v56  }
0x5f: {  	v54 =	vld.idx.msk [tilespmem:v54+s10+$0x0], $0xffff;
	v32 =	vmul.f32 v47, v32;
	v44 =	vadd.f32 v44, v3;
	v50 =	vadd.f32 v2, v50  }
0x60: {  	v24 =	vld [tilespmem:s29+$0x10];
	v3 =	vperm.xlane v49, v4;
	v35 =	vadd.f32 v35, v60;
	v33 =	vadd.f32 v33, v60  }
0x61: {  	v56 =	vld.idx.msk [tilespmem:v58+s10+$0x0], $0xffff;
	v32 =	vadd.f32 v32, v60;
	v44 =	vadd.f32 v57, v44;
	v2 =	vmul.f32 v1, v1  }
0x62: {  	v49 =	vadd.f32 v3, v49;
	v63 =	vperm.xlane v50, v4;
	v27 =	vmovc v1;
	v1 =	vperm.xlane v51, v4  }
0x63: {  	v3 =	vadd.f32 v62, v60;
	v57 =	vadd.f32 v2, v44  }
0x64: {  	v43 =	vmul.f32 v43, v54;
	v50 =	vadd.f32 v63, v50;
	v51 =	vadd.f32 v1, v51  }
0x65: {  	v28 =	vmovc v0;
	v0 =	vperm.xlane v49, v18;
	v45 =	vadd.f32 v52, v3;
	v3 =	vperm.xlane v57, v4  }
0x66: {  	v52 =	vadd.f32 v59, v33;
	v59 =	vmul.f32 v24, v24;
	v58 =	vperm.xlane v51, v18  }
0x67: {  	s26 =	sadd.s32 $0x2, s26;
	v44 =	vadd.f32 v46, v35;
	v54 =	vmul.f32 v61, v56;
	v35 =	vadd.f32 v3, v57  }
0x68: {  	v46 =	vmov s26;
	v61 =	vmul.f32 $5.000000000e-01, v48;
	v51 =	vadd.f32 v58, v51  }
0x69: {  	v48 =	vshrl.u32 v48, $0x1;
	v2 =	vperm.xlane v50, v18;
	v63 =	vperm.xlane v35, v18  }
0x6a: {  	v49 =	vadd.f32 v0, v49;
	v56 =	vsub.s32 $0x5F3759DF, v48;
	v0 =	vperm.xlane v51, v19  }
0x6b: {  	s31 =	sadd.s32 $0x5, s25;
	v33 =	vadd.f32 v59, v53;
	v1 =	vmul.f32 v56, v61;
	v35 =	vadd.f32 v63, v35;
	v63 =	vld [tilespmem:$0x1FFE0]  }
0x6c: {  	s28 =	sadd.s32 $0x1, s31;
	v50 =	vadd.f32 v2, v50;
	v48 =	vadd.f32 v0, v51;
	v51 =	vperm.xlane v49, v19  }
0x6d: {  	v62 =	vmov s28;
	v2 =	vperm.xlane v33, v4;
	v61 =	vperm.xlane v35, v19  }
0x6e: {  	v60 =	vmul.f32 v56, v1;
	v3 =	vperm.xlane v50, v19;
	v57 =	vadd.f32 v51, v49;
	v49 =	vld.idx.msk [tilespmem:v46+s10+$0x0], $0xffff  }
0x6f: {  	v53 =	vadd.f32 v2, v33;
	v58 =	vadd.f32 v61, v35;
	v35 =	vmul.f32 v43, v34;
	v34 =	vld [tilespmem:$0x1FFE0]  }
0x70: {  	s28 =	sadd.s32 $0x4, s31;
	v59 =	vadd.f32 v3, v50;
	v3 =	vsub.f32 $1.500000000e+00, v60;
	v2 =	vperm.xlane v48, v63;
	v63 =	vld [tilespmem:$0x1FFE0]  }
0x71: {  	v47 =	vadd.f32 v55, v32;
	v32 =	vmov s28;
	v55 =	vperm.xlane v53, v18  }
0x72: {  	v51 =	vld [tilespmem:$0x1FF80];
	v60 =	vadd.f32 v2, v48;
	v48 =	vmul.f32 v54, v39;
	v39 =	vmul.f32 v56, v3  }
0x73: {  	s28 =	sadd.s32 $0x3, s31;
	v50 =	vmul.f32 v54, v40;
	v46 =	vadd.f32 v55, v53;
	v55 =	vmul.f32 v43, v36  }
0x74: {  	v31 =	vmov s28;
	v36 =	vperm.xlane v58, v34;
	v61 =	vmul.f32 v39, v49  }
0x75: {  	s26 =	sadd.s32 $0x2, s31;
	v33 =	vmov s31;
	v56 =	vmul.f32 v43, v38;
	v3 =	vperm.xlane v59, v63  }
0x76: {  	v34 =	vmov s26;
	v39 =	vld.idx.msk [tilespmem:v62+s10+$0x0], $0xffff;
	v58 =	vadd.f32 v36, v58;
	v41 =	vmul.f32 v61, v41  }
0x77: {  	v62 =	vld [tilespmem:$0x1FFE0];
	v36 =	vmul.f32 v61, v42;
	v53 =	vadd.f32 v3, v59;
	v59 =	vmul.f32 v54, v51  }
0x78: {  	[tilespmem:$0x1FF20] =	vst v6;
	v51 =	vmul.f32 v54, v37;
	v54 =	vshrl.u32 v60, $0x1;
	v37 =	vmul.f32 $5.000000000e-01, v60  }
0x79: {  	[tilespmem:$0x1FF60] =	vst v5;
	s29 =	sadd.s32 $0x140, s29;
	s28 =	simm.s32 $0xA;
	s26 =	smul.u32 $0x32, s23;
	v60 =	vsub.s32 $0x5F3759DF, v54;
	v40 =	vmul.f32 $5.000000000e-01, v53;
	v49 =	vshrl.u32 v53, $0x1  }
.LBB2_4:
0x7a: {  	_ = 	snop  }
0x7b: {  	[tilespmem:$0x1FED0] =	vst v24;
	v37 =	vmul.f32 v60, v37;
	v52 =	vadd.f32 v36, v52  }
0x7c: {  	v0 =	vmovc v20;
	v42 =	vld [tilespmem:s29+$0x80];
	v20 =	vperm.xlane v57, v62;
	v43 =	vmul.f32 v43, v11;
	v41 =	vadd.f32 v41, v44  }
0x7d: {  	v24 =	vmovc v21;
	v17 =	vmovc v30;
	v49 =	vsub.s32 $0x5F3759DF, v49;
	v21 =	vmul.f32 v60, v37;
	v30 =	vadd.f32 v50, v52;
	v50 =	vld [tilespmem:s29+$0x20]  }
0x7e: {  	v20 =	vadd.f32 v20, v57;
	v48 =	vadd.f32 v48, v41;
	v41 =	vld [tilespmem:s29+$0x30];
	v54 =	vmul.f32 v61, v7  }
0x7f: {  	[tilespmem:$0x1FEC0] =	vst v0;
	v0 =	vmul.f32 v61, v15;
	v3 =	vshrl.u32 v58, $0x1;
	v37 =	vld [tilespmem:s29+$0x40];
	v21 =	vsub.f32 $1.500000000e+00, v21  }
0x80: {  	v38 =	vld [tilespmem:s29+$0x70];
	v62 =	vmul.f32 $5.000000000e-01, v20;
	v20 =	vshrl.u32 v20, $0x1;
	v1 =	vadd.f32 v54, v45  }
0x81: {  	v48 =	vadd.f32 v56, v48;
	v7 =	vadd.f32 v43, v30;
	v56 =	vld [tilespmem:s29+$0x50];
	v21 =	vmul.f32 v60, v21  }
0x82: {  	v9 =	vld [tilespmem:s29+$0xFFFFFFA0];
	v60 =	vsub.s32 $0x5F3759DF, v20;
	v2 =	vadd.f32 v59, v1;
	v1 =	vmul.f32 v50, v50  }
0x83: {  	v20 =	vld [tilespmem:s29+$0xFFFFFFF0];
	v30 =	vmul.f32 v41, v41;
	v63 =	vmul.f32 v21, v39;
	v21 =	vadd.f32 v0, v47  }
0x84: {  	v61 =	vperm.xlane v46, v19;
	v39 =	vld [tilespmem:s29+$0xFFFFFFE0];
	v0 =	vmul.f32 v37, v37;
	v44 =	vadd.f32 v55, v2  }
0x85: {  	s30 =	smov.u32 s28;
	v22 =	vld [tilespmem:$0x1FFF0];
	v55 =	vmul.f32 $5.000000000e-01, v58;
	v1 =	vadd.f32 v30, v1;
	v51 =	vadd.f32 v51, v21  }
0x86: {  	s30 =	sadd.s32 s30, s25;
	v8 =	vmul.f32 v42, v42;
	v58 =	vsub.s32 $0x5F3759DF, v3;
	v12 =	vmul.f32 v56, v56;
	v21 =	vld [tilespmem:s29+$0x0]  }
0x87: {  	s31 =	sadd.s32 $0x1, s30;
	v2 =	vmul.f32 v58, v55;
	v0 =	vadd.f32 v0, v1;
	v55 =	vadd.f32 v35, v51;
	v51 =	vld [tilespmem:s29+$0x60]  }
0x88: {  	v57 =	vld [tilespmem:s29+$0xFFFFFFC0];
	v36 =	vmov s31;
	v3 =	vmul.f32 v63, v23;
	v30 =	vmul.f32 v20, v20  }
0x89: {  	v23 =	vld [tilespmem:s29+$0xFFFFFFB0];
	v11 =	vmul.f32 v39, v39;
	v0 =	vadd.f32 v12, v0;
	v12 =	vmul.f32 v49, v40  }
0x8a: {  	v53 =	vld [tilespmem:s29+$0xFFFFFF70];
	v52 =	vmov s30;
	v13 =	vmul.f32 v38, v38;
	v16 =	vmul.f32 v9, v9  }
0x8b: {  	v10 =	vmul.f32 v21, v21;
	v11 =	vadd.f32 v30, v11;
	v30 =	vld [tilespmem:s29+$0x90];
	v12 =	vmul.f32 v49, v12  }
0x8c: {  	v4 =	vld [tilespmem:s29+$0xFFFFFF80];
	v46 =	vadd.f32 v61, v46;
	v62 =	vmul.f32 v60, v62;
	v14 =	vmul.f32 v51, v51  }
0x8d: {  	v54 =	vld [tilespmem:s29+$0xFFFFFFD0];
	v47 =	vmul.f32 v63, v29;
	v29 =	vmovc v57;
	v10 =	vadd.f32 v10, v11;
	v11 =	vperm.xlane v0, v22  }
0x8e: {  	v45 =	vld [tilespmem:s29+$0xFFFFFF90];
	v57 =	vmul.f32 v57, v29;
	v61 =	vmul.f32 v23, v23;
	v13 =	vadd.f32 v13, v14  }
0x8f: {  	v15 =	vld.idx.msk [tilespmem:v33+s10+$0x0], $0xffff;
	v1 =	vmul.f32 v58, v2;
	v0 =	vadd.f32 v11, v0;
	v11 =	vsub.f32 $1.500000000e+00, v12;
	v12 =	vmovc v9  }
0x90: {  	v16 =	vadd.f32 v61, v16;
	v61 =	vld [tilespmem:$0x1FF60];
	[tilespmem:$0x1FF60] =	vst v12;
	v12 =	vmul.f32 v30, v30;
	v8 =	vadd.f32 v8, v13  }
0x91: {  	v59 =	vmul.f32 v53, v53;
	v62 =	vmul.f32 v60, v62;
	v1 =	vsub.f32 $1.500000000e+00, v1  }
0x92: {  	s1 =	sadd.s32 $0x3, s30;
	v33 =	vmovc v52;
	v52 =	vld [tilespmem:s29+$0xFFFFFF60];
	v5 =	vmul.f32 v54, v54;
	v9 =	vadd.f32 v57, v16;
	v8 =	vadd.f32 v12, v8  }
0x93: {  	v6 =	vmov s1;
	v35 =	vmul.f32 v45, v45;
	v1 =	vmul.f32 v58, v1;
	v12 =	vld [tilespmem:$0x1FEE0]  }
0x94: {  	s31 =	sadd.s32 $0x4, s30;
	v14 =	vmul.f32 v63, v26;
	v26 =	vld [tilespmem:$0x1FFE0];
	v5 =	vadd.f32 v5, v9;
	v9 =	vperm.xlane v8, v22  }
0x95: {  	v43 =	vmov s31;
	v2 =	vmul.f32 v4, v4;
	v1 =	vmul.f32 v1, v15;
	v57 =	vld.idx.msk [tilespmem:v31+s10+$0x0], $0xffff;
	v31 =	vmovc v6  }
0x96: {  	v58 =	vmul.f32 v63, v61;
	v61 =	vld.idx.msk [tilespmem:v32+s10+$0x0], $0xffff;
	v6 =	vperm.xlane v5, v22;
	v8 =	vadd.f32 v9, v8  }
0x97: {  	v11 =	vmul.f32 v49, v11;
	v32 =	vmov v43;
	v43 =	vmul.f32 v52, v52  }
0x98: {  	v63 =	vadd.f32 v6, v5;
	v12 =	vmul.f32 v1, v12;
	v5 =	vperm.xlane v8, v18  }
0x99: {  	v40 =	vperm.xlane v46, v26;
	v15 =	vadd.f32 v59, v43;
	v59 =	vmul.f32 v1, v25  }
0x9a: {  	v12 =	vadd.f32 v12, v44;
	v5 =	vadd.f32 v5, v8;
	v8 =	vperm.xlane v63, v18  }
0x9b: {  	v62 =	vsub.f32 $1.500000000e+00, v62;
	v26 =	vmovc v54;
	v43 =	vmul.f32 v11, v61;
	v11 =	vperm.xlane v0, v18  }
0x9c: {  	v54 =	vld [tilespmem:s29+$0x10];
	v9 =	vmul.f32 v1, v27;
	v27 =	vmovc v45;
	v45 =	vadd.f32 v3, v12;
	v3 =	vadd.f32 v8, v63  }
0x9d: {  	v13 =	vadd.f32 v40, v46;
	v40 =	vmul.f32 v60, v62;
	v62 =	vld [tilespmem:$0x1FFE0];
	v2 =	vadd.f32 v2, v15  }
0x9e: {  	v49 =	vmovc v53;
	v6 =	vadd.f32 v59, v48;
	v0 =	vadd.f32 v11, v0;
	v11 =	vperm.xlane v3, v19  }
0x9f: {  	v1 =	vmul.f32 v1, v28;
	v28 =	vmovc v4;
	v7 =	vadd.f32 v9, v7;
	v4 =	vperm.xlane v5, v19  }
0xa0: {  	[tilespmem:$0x1FEE0] =	vst v49;
	v25 =	vmovc v52;
	v60 =	vld [tilespmem:$0x1FF70];
	v16 =	vmul.f32 $5.000000000e-01, v13;
	v2 =	vadd.f32 v35, v2;
	v49 =	vadd.f32 v11, v3  }
0xa1: {  	v15 =	vmul.f32 v54, v54;
	v52 =	vadd.f32 v14, v7;
	v7 =	vld [tilespmem:$0x1FF00];
	v4 =	vadd.f32 v4, v5;
	v5 =	vmovc v38  }
0xa2: {  	v13 =	vshrl.u32 v13, $0x1;
	v1 =	vadd.f32 v1, v55;
	v11 =	vld [tilespmem:$0x1FF40];
	[tilespmem:$0x1FF40] =	vst v5;
	v5 =	vperm.xlane v49, v62  }
0xa3: {  	v13 =	vsub.s32 $0x5F3759DF, v13;
	v9 =	vadd.f32 v15, v10;
	v14 =	vld [tilespmem:$0x1FF30];
	v12 =	vperm.xlane v2, v22  }
0xa4: {  	v10 =	vmul.f32 v13, v16;
	v47 =	vadd.f32 v47, v1;
	v1 =	vadd.f32 v5, v49;
	v5 =	vld [tilespmem:$0x1FF10]  }
0xa5: {  	v44 =	vadd.f32 v58, v6;
	v6 =	vmul.f32 v40, v57;
	v2 =	vadd.f32 v12, v2  }
0xa6: {  	v61 =	vmov v42;
	v35 =	vmul.f32 v43, v60;
	v10 =	vmul.f32 v13, v10  }
0xa7: {  	[tilespmem:$0x1FF70] =	vst v61;
	v60 =	vld.idx.msk [tilespmem:v34+s10+$0x0], $0xffff;
	v48 =	vmul.f32 v6, v7;
	v7 =	vmov v50;
	v8 =	vperm.xlane v2, v18  }
0xa8: {  	v61 =	vsub.f32 $1.500000000e+00, v10;
	v50 =	vmul.f32 v6, v14;
	[tilespmem:$0x1FF00] =	vst v7;
	v7 =	vperm.xlane v0, v19  }
0xa9: {  	v14 =	vmovc v56;
	v2 =	vadd.f32 v8, v2;
	v59 =	vmul.f32 v6, v5;
	v5 =	vmov v41  }
0xaa: {  	v8 =	vperm.xlane v9, v22;
	v57 =	vadd.f32 v7, v0;
	v0 =	vmul.f32 v13, v61;
	[tilespmem:$0x1FF10] =	vst v5;
	v5 =	vld [tilespmem:$0x1FF50]  }
0xab: {  	v53 =	vld [tilespmem:$0x1FF20];
	[tilespmem:$0x1FF30] =	vst v14;
	v14 =	vperm.xlane v2, v19  }
0xac: {  	v42 =	vld [tilespmem:$0x1FEF0];
	v8 =	vadd.f32 v8, v9;
	v61 =	vmul.f32 v0, v60;
	v60 =	vmovc v39;
	v63 =	vshrl.u32 v1, $0x1  }
0xad: {  	p0 =	sne.s32 s28, $0x2D;
	s31 =	sadd.s32 $0x2, s30;
	v9 =	vperm.xlane v4, v62;
	[tilespmem:$0x1FF20] =	vst v60;
	v60 =	vsub.s32 $0x5F3759DF, v63;
	v63 =	vld [tilespmem:$0x1FED0]  }
.Ltmp0:
0xae: {  	v15 =	vmovc v24;
	v24 =	vmovc v54;
	v12 =	vmov s31;
	v2 =	vadd.f32 v14, v2;
	v7 =	vperm.xlane v8, v18;
	(pc) =	sbr.rel @p0 .LBB2_4-.Ltmp0, $4  }
0xaf: {  	v55 =	vmul.f32 v43, v11;
	v4 =	vadd.f32 v9, v4;
	v56 =	vmul.f32 v43, v5;
	v5 =	vmovc v51  }
0xb0: {  	v49 =	vmovc v37;
	v37 =	vmul.f32 $5.000000000e-01, v1;
	v46 =	vadd.f32 v7, v8;
	[tilespmem:$0x1FF50] =	vst v5;
	v5 =	vperm.xlane v2, v62  }
0xb1: {  	v34 =	vmovc v12;
	v39 =	vld.idx.msk [tilespmem:v36+s10+$0x0], $0xffff;
	[tilespmem:$0x1FEF0] =	vst v49;
	v40 =	vmul.f32 $5.000000000e-01, v4;
	v49 =	vshrl.u32 v4, $0x1;
	v41 =	vmul.f32 v61, v53  }
0xb2: {  	s28 =	sadd.s32 $0x5, s28;
	s29 =	sadd.s32 $0x140, s29;
	v11 =	vmovc v17;
	v7 =	vld [tilespmem:$0x1FEC0];
	v36 =	vmul.f32 v61, v63;
	v51 =	vmul.f32 v6, v42;
	v58 =	vadd.f32 v5, v2  }
0xb3: {  	v4 =	vperm.xlane v57, v62;
	_ =	sdelay $0x1  }
0xb4: {  	v4 =	vadd.f32 v4, v57;
	v57 =	vld [tilespmem:$0x1FF90]  }
0xb5: {  	s1 =	sadd.s32 s21, s26  }
0xb6: {  	s28 =	sand.u32 $0x6, s26;
	s1 =	sand.u32 $0x1FFF8, s1  }
0xb7: {  	s1 =	sor.u32 s28, s1  }
0xb8: {  	v0 =	vld [tilespmem:s1+$0x7D00]  }
0xb9: {  	v1 =	vmul.f32 v60, v37;
	v2 =	vld [tilespmem:s1+$0x7D10];
	_ =	sdelay $0x1  }
0xba: {  	v8 =	vmul.f32 v61, v15;
	v1 =	vmul.f32 v60, v1;
	v6 =	vld [tilespmem:s1+$0x7D20]  }
0xbb: {  	v9 =	vmul.f32 v43, v11;
	v3 =	vmul.f32 v61, v7;
	v7 =	vld.idx.msk [tilespmem:v57+s26+$0x7D22 ss:$0x1], $0xffff  }
0xbc: {  	v10 =	vadd.f32 v41, v44;
	v37 =	vsub.s32 $0x5F3759DF, v49;
	v1 =	vsub.f32 $1.500000000e+00, v1  }
0xbd: {  	v5 =	vadd.f32 v36, v52;
	v36 =	vperm.xlane v46, v19;
	v0 =	vadd.f32 v2, v0  }
0xbe: {  	v17 =	vld [tilespmem:$0x1FFF0];
	v10 =	vadd.f32 v48, v10;
	v63 =	vadd.f32 v8, v47;
	v1 =	vmul.f32 v60, v1  }
0xbf: {  	v18 =	vmul.f32 v37, v40;
	v5 =	vadd.f32 v50, v5;
	v0 =	vadd.f32 v6, v0  }
0xc0: {  	v8 =	vadd.f32 v36, v46;
	v1 =	vmul.f32 v1, v39;
	v7 =	vsel vm0, $0x0, v7  }
0xc1: {  	v18 =	vmul.f32 v37, v18;
	v61 =	vshrl.u32 v58, $0x1;
	v0 =	vadd.f32 v7, v0  }
0xc2: {  	v38 =	vperm.xlane v8, v62;
	v3 =	vadd.f32 v3, v45;
	v13 =	vmul.f32 v1, v23;
	v23 =	vld [tilespmem:$0x1FFA0]  }
0xc3: {  	v11 =	vsub.s32 $0x5F3759DF, v61;
	v60 =	vmul.f32 $5.000000000e-01, v58;
	v12 =	vperm.xlane v0, v17  }
0xc4: {  	v3 =	vadd.f32 v59, v3;
	v59 =	vmul.f32 $5.000000000e-01, v4;
	v4 =	vshrl.u32 v4, $0x1  }
0xc5: {  	v42 =	vld [tilespmem:$0x1FF60];
	v4 =	vsub.s32 $0x5F3759DF, v4;
	v6 =	vmul.f32 v11, v60;
	v0 =	vadd.f32 v0, v12  }
0xc6: {  	v41 =	vld [tilespmem:$0x1FFB0];
	v10 =	vadd.f32 v56, v10;
	v8 =	vadd.f32 v38, v8;
	v2 =	vmul.f32 v4, v59  }
0xc7: {  	v18 =	vsub.f32 $1.500000000e+00, v18;
	v6 =	vmul.f32 v11, v6;
	v23 =	vperm.xlane v0, v23  }
0xc8: {  	v16 =	vld.idx.msk [tilespmem:v33+s10+$0x0], $0xffff;
	v40 =	vmul.f32 $5.000000000e-01, v8;
	v8 =	vshrl.u32 v8, $0x1;
	v2 =	vmul.f32 v4, v2  }
0xc9: {  	v43 =	vld.idx.msk [tilespmem:v31+s10+$0x0], $0xffff;
	v14 =	vmul.f32 v1, v29;
	v6 =	vsub.f32 $1.500000000e+00, v6;
	v0 =	vadd.f32 v0, v23  }
0xca: {  	v46 =	vld [tilespmem:$0x1FFC0];
	v39 =	vmul.f32 v1, v26;
	v1 =	vmul.f32 v1, v42;
	v2 =	vsub.f32 $1.500000000e+00, v2  }
0xcb: {  	v44 =	vld [tilespmem:$0x1FEE0];
	v8 =	vsub.s32 $0x5F3759DF, v8;
	v6 =	vmul.f32 v11, v6;
	v26 =	vperm.xlane v0, v41  }
0xcc: {  	v5 =	vadd.f32 v9, v5;
	v11 =	vmul.f32 v8, v40;
	v2 =	vmul.f32 v4, v2  }
0xcd: {  	v52 =	vld [tilespmem:$0x1FF30];
	v7 =	vadd.f32 v51, v63;
	v6 =	vmul.f32 v6, v16;
	v0 =	vadd.f32 v0, v26  }
0xce: {  	v56 =	vld [tilespmem:$0x1FF10];
	v3 =	vadd.f32 v55, v3;
	v11 =	vmul.f32 v8, v11;
	v2 =	vmul.f32 v2, v43  }
0xcf: {  	v45 =	vld.idx.msk [tilespmem:v34+s10+$0x0], $0xffff;
	v7 =	vadd.f32 v35, v7;
	v12 =	vmul.f32 v37, v18;
	v18 =	vperm.xlane v0, v46  }
0xd0: {  	v51 =	vld [tilespmem:$0x1FF00];
	v9 =	vmul.f32 v6, v44;
	v47 =	vsub.f32 $1.500000000e+00, v11;
	v48 =	vmul.f32 v6, v25  }
0xd1: {  	v53 =	vld [tilespmem:$0x1FF20];
	v22 =	vmul.f32 v6, v27;
	v6 =	vmul.f32 v6, v28;
	v0 =	vadd.f32 v0, v18  }
0xd2: {  	v3 =	vadd.f32 v9, v3;
	v8 =	vmul.f32 v8, v47;
	v49 =	vadd.f32 v48, v10  }
0xd3: {  	v5 =	vadd.f32 v22, v5;
	v6 =	vadd.f32 v6, v7;
	v23 =	vld.idx.msk [tilespmem:v32+s10+$0x0], $0xffff;
	(erf) = vrcp.f32 v0  }
0xd4: {  	v59 =	vld [tilespmem:$0x1FEF0];
	v7 =	vmul.f32 v2, v52;
	v3 =	vadd.f32 v13, v3;
	v4 =	vmul.f32 v8, v45  }
0xd5: {  	v58 =	vld [tilespmem:$0x1FF50];
	v8 =	vmul.f32 v2, v51;
	v6 =	vadd.f32 v14, v6;
	v14 =	vmul.f32 v2, v56  }
0xd6: {  	v54 =	vld [tilespmem:$0x1FF40];
	v1 =	vadd.f32 v1, v49;
	v9 =	vmul.f32 v4, v53;
	v55 =	vmul.f32 v4, v20  }
0xd7: {  	v50 =	vld [tilespmem:$0x1FF70];
	v5 =	vadd.f32 v39, v5;
	v57 =	vmul.f32 v4, v21;
	v4 =	vmul.f32 v4, v24  }
0xd8: {  	v1 =	vadd.f32 v9, v1;
	v3 =	vadd.f32 v55, v3;
	v12 =	vmul.f32 v12, v23  }
0xd9: {  	v2 =	vmul.f32 v2, v59;
	v6 =	vadd.f32 v57, v6;
	v4 =	vadd.f32 v4, v5  }
0xda: {  	v1 =	vadd.f32 v8, v1;
	v3 =	vadd.f32 v14, v3;
	v9 =	vmul.f32 v12, v58  }
0xdb: {  	v2 =	vadd.f32 v2, v6;
	v4 =	vadd.f32 v7, v4;
	v11 =	vmul.f32 v12, v54  }
0xdc: {  	v10 =	vmul.f32 v12, v50;
	v1 =	vadd.f32 v9, v1;
	vm1 =	vgt.f32 v0, $0.0e+00;
	v61 =	vpop (erf)  }
0xdd: {  	s31 =	sshll.u32 s23, $0x6;
	s23 =	sadd.s32 $0x1, s23;
	v60 =	vmul.f32 v12, v30;
	v3 =	vadd.f32 v11, v3;
	v0 =	vnsel vm1, $0x0, v61  }
0xde: {  	p0 =	sne.s32 s23, $0x8;
	v2 =	vadd.f32 v10, v2;
	v1 =	vmul.f32 v0, v1  }
.Ltmp1:
0xdf: {  	s1 =	sand.u32 $0x3FFFFFC0, s31;
	v4 =	vadd.f32 v60, v4;
	v3 =	vmul.f32 v0, v3;
	(pc) =	sbr.rel @p0 .LBB2_3-.Ltmp1, $4  }
0xe0: {  	v63 =	vmul.f32 v0, v2;
	[tilespmem:s1+$0x1C200] =	vst v1  }
0xe1: {  	v0 =	vmul.f32 v0, v4;
	[tilespmem:s1+$0x1C210] =	vst v3  }
0xe2: {  	[tilespmem:s1+$0x1C220] =	vst v63  }
0xe3: {  	s25 =	sadd.s32 $0x32, s25;
	s24 =	sadd.s32 $0xC80, s24;
	v21 =	vmov v17;
	v58 =	vmov v19;
	[tilespmem:s1+$0x1C230] =	vst v0  }
0xe4: {  	s1 =	sshll.u32 s19, $0xA  }
0xe5: {  	s1 =	sadd.s32 s7, s1  }
0xe6: {  	s1 =	sshrl.u32 s1, $0x3  }
0xe7: {  	s21 =	simm.s32 $0x0;
	s31 =	smin.u32 s22, $0x4D;
	s1 =	sadd.s32 s2, s1  }
0xe8: {  	[hbm4b:s1+s21] =	stream.linear.scatter [tilespmem:s15], [sflag:$0x3], $0x200, $0x38;
	[tilespmem:$0x1C400] =	vst v63  }
0xe9: {  	s1 =	smul.u32 $0x640, s31  }
0xea: {  	_ =	swait.ge [sflag:s9], $0x200  }
0xeb: {  	[sflag:s9] =	ssyncset.done $0x0;
	s1 =	sshrl.u32 s1, $0x2  }
0xec: {  	s22 =	smul.u32 $0x190, s20;
	[sflag:s9] =	ssyncadd.s32 $0xFFFFFE00;
	s1 =	sadd.s32 $0x320, s1  }
0xed: {  	[tilespmem:s12], [sflag:$0x1] =	stream.indirect.gather [hbm4b:s4+s11], $0x40, s1, s11, $0xb8;
	[tilespmem:$0x1C400] =	vst v63  }
0xee: {  	_ =	swait.ge [sflag:s16], $0x6400  }
0xef: {  	v0 =	vmov s22;
	[sflag:s16] =	ssyncset.done $0x0  }
0xf0: {  	s23 =	simm.s32 $0x15EA0;
	s24 =	smov.u32 s18;
	[tilespmem:$0x1FEB0] =	vst v0;
	v20 =	vld [tilespmem:$0x1FFD0];
	[sflag:s16] =	ssyncadd.s32 $0xFFFF9C00  }
.LBB2_7:
0xf1: {  	v0 =	vld [tilespmem:s23+$0x70]  }
0xf2: {  	v1 =	vld [tilespmem:s23+$0x60];
	_ =	sdelay $0x1  }
0xf3: {  	v2 =	vld [tilespmem:s23+$0x80]  }
0xf4: {  	v7 =	vld [tilespmem:s23+$0xFFFFFF70]  }
0xf5: {  	v13 =	vld [tilespmem:s23+$0x90]  }
0xf6: {  	v29 =	vld [tilespmem:s23+$0xFFFFFFD0];
	v3 =	vmul.f32 v0, v0;
	v4 =	vmul.f32 v1, v1  }
0xf7: {  	v39 =	vld [tilespmem:s23+$0xFFFFFF60]  }
0xf8: {  	v30 =	vld [tilespmem:s23+$0xFFFFFFA0];
	v53 =	vmul.f32 v2, v2;
	v3 =	vadd.f32 v3, v4  }
0xf9: {  	v36 =	vld [tilespmem:s23+$0xFFFFFF80]  }
0xfa: {  	v40 =	vld [tilespmem:s23+$0xFFFFFFB0];
	v54 =	vmul.f32 v13, v13;
	v3 =	vadd.f32 v53, v3  }
0xfb: {  	v37 =	vld [tilespmem:s23+$0xFFFFFF90]  }
0xfc: {  	v34 =	vld [tilespmem:s23+$0xFFFFFFC0];
	v5 =	vmul.f32 v7, v7;
	v6 =	vmul.f32 v39, v39;
	v3 =	vadd.f32 v54, v3  }
0xfd: {  	v31 =	vld [tilespmem:s23+$0xFFFFFFE0]  }
0xfe: {  	v38 =	vld [tilespmem:s23+$0xFFFFFFF0];
	v56 =	vmul.f32 v36, v36;
	v55 =	vadd.f32 v5, v6;
	v57 =	vperm.xlane v3, v21  }
0xff: {  	v8 =	vmul.f32 v30, v30;
	v9 =	vmul.f32 v40, v40  }
0x100: {  	v32 =	vld [tilespmem:s23+$0x0];
	v10 =	vmul.f32 v37, v37;
	v4 =	vadd.f32 v56, v55;
	v3 =	vadd.f32 v57, v3  }
0x101: {  	v60 =	vmul.f32 v34, v34;
	v59 =	vadd.f32 v9, v8  }
0x102: {  	v33 =	vld [tilespmem:s23+$0x10];
	v11 =	vmul.f32 v31, v31;
	v4 =	vadd.f32 v10, v4;
	v9 =	vperm.xlane v3, v20  }
0x103: {  	v8 =	vmul.f32 v29, v29;
	v5 =	vadd.f32 v60, v59;
	v10 =	vmul.f32 v38, v38  }
0x104: {  	v61 =	vperm.xlane v4, v21;
	v3 =	vadd.f32 v9, v3  }
0x105: {  	v5 =	vadd.f32 v8, v5;
	v10 =	vadd.f32 v10, v11;
	v9 =	vmul.f32 v32, v32  }
0x106: {  	v4 =	vadd.f32 v61, v4;
	v63 =	vperm.xlane v3, v58  }
0x107: {  	v42 =	vld [tilespmem:s23+$0x20];
	v8 =	vmul.f32 v33, v33;
	v9 =	vadd.f32 v9, v10;
	v10 =	vperm.xlane v5, v21  }
0x108: {  	v45 =	vld [tilespmem:s23+$0x50];
	v11 =	vperm.xlane v4, v20;
	v3 =	vadd.f32 v63, v3  }
0x109: {  	s25 =	sadd.s32 $0x0, s24;
	v43 =	vld [tilespmem:s23+$0x30];
	v8 =	vadd.f32 v8, v9;
	v5 =	vadd.f32 v10, v5  }
0x10a: {  	s1 =	sadd.s32 $0x194, s25;
	v4 =	vadd.f32 v11, v4;
	v10 =	vperm.xlane v3, v62  }
0x10b: {  	v35 =	vmov s1;
	v12 =	vperm.xlane v5, v20;
	v14 =	vperm.xlane v8, v21  }
0x10c: {  	v41 =	vld [tilespmem:s23+$0x40];
	s28 =	sadd.s32 $0x140, s23;
	v15 =	vmul.f32 v42, v42;
	v16 =	vperm.xlane v4, v58;
	v3 =	vadd.f32 v10, v3  }
0x10d: {  	v22 =	vld [tilespmem:s28+$0xFFFFFF70];
	v17 =	vmul.f32 v45, v45;
	v5 =	vadd.f32 v12, v5;
	v8 =	vadd.f32 v14, v8  }
0x10e: {  	v4 =	vadd.f32 v16, v4;
	v10 =	vmul.f32 v43, v43;
	v12 =	vmul.f32 $5.000000000e-01, v3  }
0x10f: {  	v3 =	vshrl.u32 v3, $0x1;
	v14 =	vperm.xlane v5, v58;
	v16 =	vperm.xlane v8, v20  }
0x110: {  	v10 =	vadd.f32 v10, v15;
	v15 =	vperm.xlane v4, v62;
	v3 =	vsub.s32 $0x5F3759DF, v3  }
0x111: {  	v9 =	vmul.f32 v41, v41;
	v12 =	vmul.f32 v3, v12;
	v5 =	vadd.f32 v14, v5  }
0x112: {  	s29 =	sadd.s32 $0x192, s25;
	v47 =	vmul.f32 v22, v22;
	v8 =	vadd.f32 v16, v8;
	v4 =	vadd.f32 v15, v4  }
0x113: {  	v11 =	vmov s29;
	v9 =	vadd.f32 v9, v10;
	v10 =	vmul.f32 v3, v12  }
0x114: {  	v6 =	vld.idx.msk [tilespmem:v35+s10+$0x0], $0xffff;
	v12 =	vperm.xlane v5, v62;
	v14 =	vperm.xlane v8, v58;
	v15 =	vshrl.u32 v4, $0x1  }
0x115: {  	v9 =	vadd.f32 v17, v9;
	v4 =	vmul.f32 $5.000000000e-01, v4;
	v17 =	vld [tilespmem:s28+$0x70];
	v10 =	vsub.f32 $1.500000000e+00, v10  }
0x116: {  	v24 =	vsub.s32 $0x5F3759DF, v15;
	v5 =	vadd.f32 v12, v5;
	v12 =	vadd.f32 v14, v8;
	v14 =	vld [tilespmem:s28+$0x90]  }
0x117: {  	v4 =	vmul.f32 v24, v4;
	v3 =	vmul.f32 v3, v10  }
0x118: {  	v16 =	vld.idx.msk [tilespmem:v11+s10+$0x0], $0xffff;
	v10 =	vperm.xlane v9, v21;
	v11 =	vmul.f32 $5.000000000e-01, v5;
	v5 =	vshrl.u32 v5, $0x1  }
0x119: {  	v15 =	vperm.xlane v12, v62;
	v4 =	vmul.f32 v24, v4;
	v5 =	vsub.s32 $0x5F3759DF, v5  }
0x11a: {  	v35 =	vld [tilespmem:s28+$0x20];
	v52 =	vmul.f32 v17, v17;
	v3 =	vmul.f32 v3, v6;
	v48 =	vadd.f32 v10, v9  }
0x11b: {  	v9 =	vmul.f32 v5, v11;
	v10 =	vadd.f32 v15, v12;
	v12 =	vld [tilespmem:s28+$0x60];
	v6 =	vmul.f32 v14, v14  }
0x11c: {  	v11 =	vld [tilespmem:s28+$0x80];
	v44 =	vmul.f32 v3, v1;
	v49 =	vperm.xlane v48, v20  }
0x11d: {  	v56 =	vld [tilespmem:s28+$0x30];
	v4 =	vsub.f32 $1.500000000e+00, v4;
	v23 =	vmul.f32 v5, v9;
	v9 =	vmul.f32 $5.000000000e-01, v10  }
0x11e: {  	v8 =	vld [tilespmem:s28+$0xFFFFFFF0];
	v10 =	vshrl.u32 v10, $0x1;
	v46 =	vmul.f32 v3, v0;
	v18 =	vmul.f32 v3, v2  }
0x11f: {  	v61 =	vld [tilespmem:s28+$0xFFFFFFA0];
	v25 =	vmul.f32 v3, v13;
	v4 =	vmul.f32 v24, v4;
	v1 =	vsub.s32 $0x5F3759DF, v10  }
0x120: {  	s30 =	sadd.s32 $0x190, s25;
	v63 =	vld [tilespmem:s28+$0xFFFFFF60];
	v50 =	vadd.f32 v49, v48;
	v51 =	vmul.f32 v1, v9;
	v49 =	vmul.f32 v35, v35  }
0x121: {  	s31 =	sadd.s32 $0x191, s25;
	v27 =	vmov s30;
	v59 =	vld [tilespmem:s28+$0xFFFFFFB0];
	v19 =	vmul.f32 v12, v12;
	v54 =	vmul.f32 v11, v11  }
0x122: {  	v57 =	vld [tilespmem:s28+$0xFFFFFFD0];
	v48 =	vmov s31;
	v15 =	vperm.xlane v50, v58;
	v2 =	vmul.f32 v1, v51  }
0x123: {  	v10 =	vld [tilespmem:s28+$0xFFFFFFE0];
	v51 =	vmul.f32 v8, v8;
	v53 =	vadd.f32 v52, v19;
	v52 =	vsub.f32 $1.500000000e+00, v23  }
0x124: {  	v60 =	vld [tilespmem:s28+$0xFFFFFF80];
	v0 =	vadd.f32 v15, v50;
	v2 =	vsub.f32 $1.500000000e+00, v2;
	v50 =	vmul.f32 v56, v56  }
0x125: {  	v9 =	vld [tilespmem:s28+$0xFFFFFF90];
	v3 =	vadd.f32 v54, v53;
	v53 =	vmul.f32 v63, v63;
	v54 =	vmul.f32 v61, v61  }
0x126: {  	v5 =	vmul.f32 v5, v52;
	v19 =	vperm.xlane v0, v62  }
0x127: {  	[tilespmem:$0x1FE70] =	vst v8;
	v8 =	vld [tilespmem:s28+$0xFFFFFFC0];
	v1 =	vmul.f32 v1, v2;
	v2 =	vmul.f32 v57, v57;
	v49 =	vadd.f32 v50, v49  }
0x128: {  	v48 =	vld.idx.msk [tilespmem:v48+s10+$0x0], $0xffff;
	v50 =	vmul.f32 v10, v10;
	v3 =	vadd.f32 v6, v3;
	v6 =	vmul.f32 v59, v59  }
0x129: {  	v47 =	vadd.f32 v47, v53;
	v53 =	vld.idx.msk [tilespmem:v27+s10+$0x0], $0xffff;
	v27 =	vmul.f32 v60, v60;
	v0 =	vadd.f32 v19, v0  }
0x12a: {  	v1 =	vmul.f32 v1, v16;
	v50 =	vadd.f32 v51, v50;
	v51 =	vmul.f32 v9, v9  }
0x12b: {  	v6 =	vadd.f32 v6, v54;
	v54 =	vperm.xlane v3, v21;
	v27 =	vadd.f32 v27, v47  }
0x12c: {  	v19 =	vld [tilespmem:s28+$0x0];
	v47 =	vmul.f32 v8, v8;
	v55 =	vshrl.u32 v0, $0x1;
	v0 =	vmul.f32 $5.000000000e-01, v0  }
0x12d: {  	v5 =	vmul.f32 v5, v48;
	v32 =	vmul.f32 v1, v32  }
0x12e: {  	v31 =	vmul.f32 v1, v31;
	v6 =	vadd.f32 v47, v6;
	v47 =	vsub.s32 $0x5F3759DF, v55  }
0x12f: {  	v3 =	vadd.f32 v54, v3;
	v4 =	vmul.f32 v4, v53;
	v0 =	vmul.f32 v47, v0  }
0x130: {  	v24 =	vld [tilespmem:s28+$0x40];
	v51 =	vadd.f32 v51, v27;
	v40 =	vmul.f32 v5, v40;
	v29 =	vmul.f32 v5, v29  }
0x131: {  	v52 =	vmul.f32 v19, v19;
	v53 =	vperm.xlane v3, v20  }
0x132: {  	s26 =	sadd.s32 $0x193, s25;
	v26 =	vld [tilespmem:s28+$0x10];
	s1 =	sadd.s32 $0x5, s24;
	v2 =	vadd.f32 v2, v6;
	v6 =	vperm.xlane v51, v21;
	v0 =	vmul.f32 v47, v0  }
0x133: {  	v54 =	vmov s26;
	s26 =	sadd.s32 $0x190, s1;
	v39 =	vmul.f32 v4, v39;
	v7 =	vmul.f32 v4, v7  }
0x134: {  	s30 =	sadd.s32 $0x192, s1;
	v16 =	vmov s26;
	v37 =	vmul.f32 v4, v37;
	v4 =	vmul.f32 v4, v36  }
0x135: {  	v36 =	vmov s30;
	v50 =	vadd.f32 v52, v50;
	v52 =	vmul.f32 v24, v24  }
0x136: {  	v3 =	vadd.f32 v53, v3;
	v53 =	vperm.xlane v2, v21;
	v6 =	vadd.f32 v6, v51  }
0x137: {  	v51 =	vmul.f32 v26, v26;
	v0 =	vsub.f32 $1.500000000e+00, v0;
	v49 =	vadd.f32 v52, v49  }
0x138: {  	v52 =	vperm.xlane v3, v58;
	v2 =	vadd.f32 v53, v2;
	v53 =	vperm.xlane v6, v20  }
0x139: {  	v48 =	vadd.f32 v51, v50;
	v50 =	vld.idx.msk [tilespmem:v54+s10+$0x0], $0xffff;
	v0 =	vmul.f32 v47, v0;
	v47 =	vmul.f32 v1, v38  }
0x13a: {  	v3 =	vadd.f32 v52, v3;
	v6 =	vadd.f32 v53, v6;
	v52 =	vimm.f32 $0.0e+00  }
0x13b: {  	v51 =	vperm.xlane v2, v20;
	v7 =	vadd.f32 v7, v52;
	v37 =	vadd.f32 v37, v52  }
0x13c: {  	s29 =	sadd.s32 $0x194, s1;
	v1 =	vmul.f32 v1, v33;
	v53 =	vadd.f32 v39, v52;
	v4 =	vadd.f32 v4, v52  }
0x13d: {  	v52 =	vmov s29;
	v2 =	vadd.f32 v51, v2;
	v55 =	vperm.xlane v6, v58  }
0x13e: {  	v54 =	vperm.xlane v3, v62;
	v0 =	vmul.f32 v0, v50;
	v50 =	vadd.f32 v29, v37  }
0x13f: {  	v6 =	vadd.f32 v55, v6;
	v55 =	vmul.f32 v5, v30;
	v29 =	vperm.xlane v2, v58  }
0x140: {  	v7 =	vadd.f32 v40, v7;
	v5 =	vmul.f32 v5, v34;
	v34 =	vmul.f32 v0, v42  }
0x141: {  	v3 =	vadd.f32 v54, v3;
	v39 =	vmul.f32 v0, v43;
	v43 =	vmul.f32 v0, v45  }
0x142: {  	v27 =	vld [tilespmem:s28+$0x50];
	v30 =	vadd.f32 v47, v7;
	v45 =	vperm.xlane v48, v21;
	v0 =	vmul.f32 v0, v41  }
0x143: {  	v40 =	vadd.f32 v1, v50;
	v54 =	vperm.xlane v6, v62;
	v2 =	vadd.f32 v29, v2  }
0x144: {  	v4 =	vadd.f32 v5, v4;
	v47 =	vmul.f32 $5.000000000e-01, v3;
	v53 =	vadd.f32 v55, v53  }
0x145: {  	v3 =	vshrl.u32 v3, $0x1;
	v30 =	vadd.f32 v39, v30;
	v5 =	vadd.f32 v45, v48  }
0x146: {  	v3 =	vsub.s32 $0x5F3759DF, v3;
	v6 =	vadd.f32 v54, v6;
	v51 =	vperm.xlane v2, v62  }
0x147: {  	v7 =	vmul.f32 v3, v47;
	v54 =	vmul.f32 v27, v27;
	v4 =	vadd.f32 v32, v4  }
0x148: {  	v31 =	vadd.f32 v31, v53;
	v28 =	vadd.f32 v46, v30;
	v33 =	vperm.xlane v5, v20  }
0x149: {  	s31 =	sadd.s32 $0x191, s1;
	v2 =	vadd.f32 v51, v2;
	v55 =	vmul.f32 v3, v7;
	v42 =	vadd.f32 v54, v49  }
0x14a: {  	s1 =	sadd.s32 $0x193, s1;
	v45 =	vld.idx.msk [tilespmem:v52+s10+$0x0], $0xffff;
	v38 =	vadd.f32 v0, v4;
	v49 =	vmov s31;
	v52 =	vshrl.u32 v6, $0x1  }
0x14b: {  	v53 =	vadd.f32 v34, v31;
	v34 =	vmov s1;
	v48 =	vsub.f32 $1.500000000e+00, v55  }
0x14c: {  	[tilespmem:$0x1FE80] =	vst v10;
	v54 =	vmul.f32 $5.000000000e-01, v6;
	v47 =	vadd.f32 v33, v5;
	v37 =	vsub.s32 $0x5F3759DF, v52  }
0x14d: {  	[tilespmem:$0x1FEA0] =	vst v49;
	v41 =	vmul.f32 $5.000000000e-01, v2;
	v55 =	vshrl.u32 v2, $0x1;
	v51 =	vmul.f32 v3, v48  }
0x14e: {  	v49 =	vld.idx.msk [tilespmem:v36+s10+$0x0], $0xffff;
	v46 =	vmul.f32 v37, v54;
	v33 =	vadd.f32 v44, v53;
	v36 =	vperm.xlane v47, v58  }
0x14f: {  	s25 =	smul.u32 $0x32, s21;
	v23 =	vmovc v9;
	[tilespmem:$0x1FE90] =	vst v8;
	s28 =	sadd.s32 $0x140, s28;
	s26 =	simm.s32 $0xA;
	v39 =	vsub.s32 $0x5F3759DF, v55;
	v48 =	vperm.xlane v42, v21;
	v45 =	vmul.f32 v51, v45  }
.LBB2_8:
0x150: {  	_ =	sdelay $0x3  }
0x151: {  	v3 =	vadd.f32 v36, v47;
	v5 =	vmul.f32 v45, v12  }
0x152: {  	v7 =	vld [tilespmem:s28+$0x60]  }
0x153: {  	v1 =	vadd.f32 v43, v40;
	v4 =	vadd.f32 v48, v42;
	v50 =	vperm.xlane v3, v62;
	[tilespmem:$0x1FE60] =	vst v5;
	v5 =	vld [tilespmem:s28+$0x70];
	_ =	sdelay $0x1  }
0x154: {  	v51 =	vperm.xlane v4, v20;
	v43 =	vadd.f32 v25, v1;
	v1 =	vadd.f32 v50, v3  }
0x155: {  	v44 =	vld [tilespmem:s28+$0xFFFFFF70]  }
0x156: {  	s1 =	sadd.s32 s26, s24;
	v53 =	vld [tilespmem:s28+$0xFFFFFF90];
	v4 =	vadd.f32 v51, v4;
	v40 =	vmul.f32 $5.000000000e-01, v1;
	v1 =	vshrl.u32 v1, $0x1  }
0x157: {  	v16 =	vld.idx.msk [tilespmem:v16+s10+$0x0], $0xffff;
	s29 =	sadd.s32 $0x194, s1;
	v50 =	vmul.f32 v7, v7;
	v1 =	vsub.s32 $0x5F3759DF, v1;
	v32 =	vmul.f32 v5, v5  }
0x158: {  	v36 =	vld [tilespmem:s28+$0x80];
	v6 =	vmov s29;
	v47 =	vmul.f32 v1, v40  }
0x159: {  	v0 =	vmul.f32 v39, v41;
	[tilespmem:$0x1FE10] =	vst v6;
	v41 =	vperm.xlane v4, v58;
	v6 =	vadd.f32 v32, v50;
	v50 =	vld [tilespmem:s28+$0x30]  }
0x15a: {  	v20 =	vld [tilespmem:$0x1FE70];
	v47 =	vmul.f32 v1, v47  }
0x15b: {  	v9 =	vmul.f32 v45, v11;
	v51 =	vld [tilespmem:s28+$0x20];
	v4 =	vadd.f32 v41, v4  }
0x15c: {  	v54 =	vmul.f32 v45, v14;
	v2 =	vadd.f32 v18, v38;
	v25 =	vmovc v59;
	v59 =	vld [tilespmem:s28+$0xFFFFFFE0];
	v47 =	vsub.f32 $1.500000000e+00, v47  }
0x15d: {  	v52 =	vmul.f32 v36, v36;
	v8 =	vmov v5;
	v5 =	vld [tilespmem:s28+$0xFFFFFFF0];
	v32 =	vperm.xlane v4, v62  }
0x15e: {  	v31 =	vmovc v23;
	v23 =	vmov v22;
	[tilespmem:$0x1FDD0] =	vst v2;
	v2 =	vld [tilespmem:s28+$0x90];
	v1 =	vmul.f32 v1, v47;
	v40 =	vmul.f32 v50, v50  }
0x15f: {  	v22 =	vmovc v58;
	v30 =	vmov v63;
	v42 =	vld [tilespmem:s28+$0x0];
	v46 =	vmul.f32 v37, v46;
	[tilespmem:$0x1FDF0] =	vst v9;
	v10 =	vmul.f32 v45, v17  }
0x160: {  	s31 =	sadd.s32 $0x190, s1;
	[tilespmem:$0x1FE40] =	vst v7;
	v7 =	vld [tilespmem:s28+$0xFFFFFFB0];
	v6 =	vadd.f32 v52, v6;
	v52 =	vmul.f32 v51, v51;
	v49 =	vmul.f32 v1, v49  }
0x161: {  	v55 =	vmov s31;
	[tilespmem:$0x1FE00] =	vst v10;
	v41 =	vmovc v26;
	v26 =	vmovc v60;
	v60 =	vld [tilespmem:s28+$0xFFFFFFA0];
	v4 =	vadd.f32 v32, v4;
	v32 =	vmov v24  }
0x162: {  	v58 =	vld [tilespmem:s28+$0xFFFFFF60];
	v24 =	vmovc v35;
	v35 =	vadd.f32 v40, v52;
	v40 =	vmovc v55;
	v55 =	vmul.f32 v49, v20;
	v20 =	vmov v5  }
0x163: {  	v63 =	vsub.f32 $1.500000000e+00, v46;
	v13 =	vmul.f32 v59, v59;
	v14 =	vmovc v2;
	v10 =	vmul.f32 v5, v5;
	[tilespmem:$0x1FE70] =	vst v20;
	v20 =	vld [tilespmem:$0x1FEA0]  }
0x164: {  	v12 =	vld [tilespmem:s28+$0xFFFFFFC0];
	[tilespmem:$0x1FE20] =	vst v8;
	v2 =	vmul.f32 v2, v14;
	v8 =	vmul.f32 v42, v42;
	v9 =	vshrl.u32 v4, $0x1  }
0x165: {  	v1 =	vsub.s32 $0x5F3759DF, v9;
	v9 =	vld [tilespmem:s28+$0xFFFFFF80];
	v10 =	vadd.f32 v10, v13;
	v13 =	vmul.f32 v37, v63  }
0x166: {  	v18 =	vmovc v19;
	v3 =	vld [tilespmem:s28+$0xFFFFFFD0];
	v19 =	vmul.f32 v7, v7;
	v17 =	vmul.f32 v60, v60;
	v2 =	vadd.f32 v2, v6  }
0x167: {  	[tilespmem:$0x1FDE0] =	vst v56;
	v56 =	vmul.f32 v44, v44;
	v8 =	vadd.f32 v8, v10;
	v10 =	vmul.f32 v13, v16;
	v13 =	vld [tilespmem:$0x1FFD0]  }
0x168: {  	s30 =	sadd.s32 $0x192, s1;
	s31 =	sadd.s32 $0x191, s1;
	v45 =	vld [tilespmem:s28+$0x40];
	v15 =	vmul.f32 v58, v58;
	v17 =	vadd.f32 v19, v17;
	v19 =	vperm.xlane v2, v21  }
0x169: {  	v48 =	vmov s30;
	v0 =	vmul.f32 v39, v0;
	v38 =	vmovc v27;
	v27 =	vmovc v57;
	v57 =	vmov s31;
	v47 =	vld [tilespmem:s28+$0x10]  }
0x16a: {  	v29 =	vmovc v61;
	v6 =	vadd.f32 v56, v15;
	v2 =	vadd.f32 v19, v2;
	v5 =	vmul.f32 v9, v9  }
0x16b: {  	v0 =	vsub.f32 $1.500000000e+00, v0;
	v11 =	vmul.f32 v53, v53;
	v56 =	vld.idx.msk [tilespmem:v20+s10+$0x0], $0xffff;
	v20 =	vmovc v21;
	v21 =	vmul.f32 v12, v12  }
0x16c: {  	[tilespmem:$0x1FE50] =	vst v48;
	v48 =	vld [tilespmem:s28+$0x50];
	v61 =	vmul.f32 v3, v3;
	v5 =	vadd.f32 v5, v6;
	v13 =	vperm.xlane v2, v13  }
0x16d: {  	v62 =	vmul.f32 v45, v45;
	v4 =	vmul.f32 $5.000000000e-01, v4;
	v63 =	vmovc v57;
	v57 =	vmovc v59;
	v59 =	vadd.f32 v21, v17  }
0x16e: {  	v52 =	vld [tilespmem:$0x1FE80];
	v15 =	vmul.f32 v47, v47;
	v5 =	vadd.f32 v11, v5;
	v2 =	vadd.f32 v13, v2  }
0x16f: {  	v0 =	vmul.f32 v39, v0;
	v11 =	vadd.f32 v62, v35;
	v62 =	vld [tilespmem:$0x1FFE0];
	v6 =	vadd.f32 v61, v59  }
0x170: {  	v4 =	vmul.f32 v1, v4;
	v8 =	vadd.f32 v15, v8;
	v15 =	vperm.xlane v2, v22;
	v21 =	vld [tilespmem:$0x1FFD0]  }
0x171: {  	v46 =	vmul.f32 v48, v48;
	v19 =	vld.idx.msk [tilespmem:v34+s10+$0x0], $0xffff;
	v13 =	vperm.xlane v6, v20  }
0x172: {  	v4 =	vmul.f32 v1, v4;
	v34 =	vld [tilespmem:$0x1FFD0];
	v16 =	vmul.f32 v10, v30;
	v2 =	vadd.f32 v15, v2  }
0x173: {  	v39 =	vmul.f32 v10, v23;
	v17 =	vperm.xlane v5, v20;
	v6 =	vadd.f32 v13, v6  }
0x174: {  	v23 =	vmov v53;
	v53 =	vmul.f32 v10, v26;
	v15 =	vld [tilespmem:$0x1FE90];
	v37 =	vperm.xlane v2, v62  }
0x175: {  	[tilespmem:$0x1FE80] =	vst v57;
	v52 =	vmul.f32 v49, v52;
	v5 =	vadd.f32 v17, v5;
	v21 =	vperm.xlane v6, v21  }
0x176: {  	v35 =	vmovc v12;
	v12 =	vadd.f32 v16, v33;
	v2 =	vadd.f32 v37, v2;
	v0 =	vmul.f32 v0, v56  }
0x177: {  	v57 =	vmovc v3;
	v16 =	vmul.f32 v10, v31;
	v3 =	vperm.xlane v5, v34;
	v6 =	vadd.f32 v21, v6  }
0x178: {  	s1 =	sadd.s32 $0x193, s1;
	[tilespmem:$0x1FEA0] =	vst v63;
	v63 =	vmovc v58;
	v58 =	vmov v22;
	v10 =	vmul.f32 $5.000000000e-01, v2;
	v17 =	vmul.f32 v0, v29  }
0x179: {  	[tilespmem:$0x1FE30] =	vst v54;
	v54 =	vmov s1;
	v61 =	vmovc v60;
	v60 =	vmovc v9;
	v56 =	vld [tilespmem:$0x1FDD0];
	v15 =	vmul.f32 v0, v15;
	v9 =	vperm.xlane v6, v58  }
0x17a: {  	v13 =	vmul.f32 v0, v27;
	v27 =	vsub.f32 $1.500000000e+00, v4;
	v3 =	vadd.f32 v3, v5  }
0x17b: {  	v5 =	vadd.f32 v39, v28;
	v0 =	vmul.f32 v0, v25;
	v6 =	vadd.f32 v9, v6  }
0x17c: {  	v22 =	vmovc v44;
	v44 =	vld [tilespmem:$0x1FDE0];
	v2 =	vshrl.u32 v2, $0x1;
	v1 =	vmul.f32 v1, v27;
	v27 =	vperm.xlane v3, v58  }
0x17d: {  	v34 =	vmovc v54;
	v54 =	vadd.f32 v16, v43;
	v0 =	vadd.f32 v0, v5;
	v9 =	vperm.xlane v6, v62  }
0x17e: {  	v4 =	vadd.f32 v53, v56;
	v1 =	vmul.f32 v1, v19;
	v3 =	vadd.f32 v27, v3  }
0x17f: {  	v2 =	vsub.s32 $0x5F3759DF, v2;
	v33 =	vadd.f32 v13, v54;
	v56 =	vmovc v50;
	v50 =	vadd.f32 v9, v6;
	v9 =	vld [tilespmem:$0x1FE10]  }
0x180: {  	v0 =	vadd.f32 v55, v0;
	v16 =	vmul.f32 v1, v24;
	v19 =	vperm.xlane v3, v62  }
0x181: {  	v59 =	vmovc v7;
	v21 =	vmovc v20;
	v27 =	vmov v48;
	v7 =	vmul.f32 v1, v44;
	v48 =	vmul.f32 v2, v10;
	v10 =	vld [tilespmem:$0x1FE00]  }
0x182: {  	v4 =	vadd.f32 v15, v4;
	v20 =	vld [tilespmem:$0x1FFD0];
	v43 =	vmul.f32 v1, v38;
	v13 =	vperm.xlane v8, v21  }
0x183: {  	v54 =	vld [tilespmem:$0x1FE50];
	v3 =	vadd.f32 v19, v3;
	v0 =	vadd.f32 v7, v0;
	v7 =	vmul.f32 v2, v48  }
0x184: {  	v1 =	vmul.f32 v1, v32;
	v8 =	vadd.f32 v13, v8;
	v13 =	vmul.f32 v49, v18  }
0x185: {  	v24 =	vmovc v45;
	v45 =	vshrl.u32 v3, $0x1;
	v19 =	vmovc v42;
	v7 =	vsub.f32 $1.500000000e+00, v7;
	v42 =	vadd.f32 v46, v11  }
0x186: {  	[tilespmem:$0x1FE90] =	vst v35;
	v55 =	vld [tilespmem:$0x1FE60];
	v3 =	vmul.f32 $5.000000000e-01, v3;
	v28 =	vadd.f32 v10, v0;
	v10 =	vadd.f32 v17, v12  }
0x187: {  	p0 =	sne.s32 s26, $0x2D;
	v35 =	vmovc v51;
	v37 =	vsub.s32 $0x5F3759DF, v45;
	v51 =	vperm.xlane v8, v20;
	v4 =	vadd.f32 v13, v4;
	v9 =	vld.idx.msk [tilespmem:v9+s10+$0x0], $0xffff  }
.Ltmp2:
0x188: {  	v25 =	vld [tilespmem:$0x1FE30];
	v12 =	vmul.f32 v49, v41;
	v46 =	vmul.f32 v37, v3;
	v10 =	vadd.f32 v52, v10;
	(pc) =	sbr.rel @p0 .LBB2_8-.Ltmp2, $4  }
0x189: {  	v26 =	vmovc v47;
	v18 =	vld [tilespmem:$0x1FDF0];
	v48 =	vperm.xlane v42, v21;
	v38 =	vadd.f32 v1, v4;
	v47 =	vadd.f32 v51, v8  }
0x18a: {  	v17 =	vld [tilespmem:$0x1FE20];
	v52 =	vmul.f32 v2, v7;
	v0 =	vshrl.u32 v50, $0x1;
	v53 =	vadd.f32 v16, v10  }
0x18b: {  	v49 =	vld.idx.msk [tilespmem:v54+s10+$0x0], $0xffff;
	v41 =	vmul.f32 $5.000000000e-01, v50;
	v39 =	vsub.s32 $0x5F3759DF, v0;
	v16 =	vmovc v40;
	v40 =	vadd.f32 v12, v33  }
0x18c: {  	s26 =	sadd.s32 $0x5, s26;
	s28 =	sadd.s32 $0x140, s28;
	v11 =	vmovc v36;
	v12 =	vld [tilespmem:$0x1FE40];
	v36 =	vperm.xlane v47, v58;
	v33 =	vadd.f32 v55, v53;
	v45 =	vmul.f32 v52, v9  }
0x18d: {  	v5 =	vld [tilespmem:$0x1FEB0]  }
0x18e: {  	s1 =	sadd.s32 s22, s25  }
0x18f: {  	s26 =	sand.u32 $0x6, s25;
	s1 =	sand.u32 $0x1FFF8, s1  }
0x190: {  	s1 =	sor.u32 s26, s1  }
0x191: {  	v0 =	vld [tilespmem:s1+$0x7D00]  }
0x192: {  	v1 =	vld [tilespmem:s1+$0x7D10]  }
0x193: {  	v2 =	vadd.f32 v36, v47  }
0x194: {  	v3 =	vld [tilespmem:s1+$0x7D20]  }
0x195: {  	v4 =	vperm.xlane v2, v62;
	v5 =	vld.idx.msk [tilespmem:v5+s25+$0x7D22 ss:$0x1], $0xffff;
	_ =	sdelay $0x1  }
0x196: {  	v2 =	vadd.f32 v4, v2;
	v0 =	vadd.f32 v1, v0  }
0x197: {  	v6 =	vadd.f32 v48, v42  }
0x198: {  	v8 =	vmul.f32 $5.000000000e-01, v2;
	v2 =	vshrl.u32 v2, $0x1;
	v0 =	vadd.f32 v3, v0  }
0x199: {  	v7 =	vperm.xlane v6, v20;
	v2 =	vsub.s32 $0x5F3759DF, v2;
	v9 =	vsel vm0, $0x0, v5  }
0x19a: {  	v10 =	vmul.f32 v39, v41;
	v41 =	vld [tilespmem:$0x1FEA0];
	v3 =	vmul.f32 v2, v8;
	v0 =	vadd.f32 v9, v0  }
0x19b: {  	v31 =	vld [tilespmem:$0x1FFA0];
	v1 =	vadd.f32 v7, v6  }
0x19c: {  	v3 =	vmul.f32 v2, v3;
	v15 =	vperm.xlane v0, v21  }
0x19d: {  	v13 =	vperm.xlane v1, v58  }
0x19e: {  	v3 =	vsub.f32 $1.500000000e+00, v3;
	v0 =	vadd.f32 v0, v15  }
0x19f: {  	v30 =	vmul.f32 v37, v46;
	v42 =	vld [tilespmem:$0x1FFB0];
	v4 =	vmul.f32 v39, v10;
	v1 =	vadd.f32 v13, v1  }
0x1a0: {  	v44 =	vadd.f32 v43, v40;
	v10 =	vld.idx.msk [tilespmem:v16+s10+$0x0], $0xffff;
	v2 =	vmul.f32 v2, v3;
	v3 =	vperm.xlane v0, v31  }
0x1a1: {  	v32 =	vmul.f32 v45, v17;
	v6 =	vsub.f32 $1.500000000e+00, v30;
	v7 =	vperm.xlane v1, v62  }
0x1a2: {  	v29 =	vmul.f32 v45, v12;
	v8 =	vmul.f32 v45, v11;
	v11 =	vld.idx.msk [tilespmem:v41+s10+$0x0], $0xffff;
	v0 =	vadd.f32 v0, v3  }
0x1a3: {  	v6 =	vmul.f32 v37, v6;
	v9 =	vmul.f32 v45, v14;
	v45 =	vld [tilespmem:$0x1FFC0];
	v1 =	vadd.f32 v7, v1  }
0x1a4: {  	v50 =	vadd.f32 v18, v38;
	v4 =	vsub.f32 $1.500000000e+00, v4;
	v12 =	vperm.xlane v0, v42  }
0x1a5: {  	v6 =	vmul.f32 v6, v10;
	v36 =	vshrl.u32 v1, $0x1;
	v1 =	vmul.f32 $5.000000000e-01, v1  }
0x1a6: {  	v4 =	vmul.f32 v39, v4;
	v3 =	vsub.s32 $0x5F3759DF, v36;
	v0 =	vadd.f32 v0, v12  }
0x1a7: {  	v10 =	vadd.f32 v25, v44;
	v18 =	vmul.f32 v6, v23;
	v1 =	vmul.f32 v3, v1  }
0x1a8: {  	v13 =	vld [tilespmem:$0x1FE80];
	v4 =	vmul.f32 v4, v11;
	v11 =	vperm.xlane v0, v45  }
0x1a9: {  	v47 =	vmul.f32 v6, v63;
	v10 =	vadd.f32 v18, v10;
	v18 =	vld [tilespmem:$0x1FE90];
	v1 =	vmul.f32 v3, v1  }
0x1aa: {  	v51 =	vmul.f32 v6, v22;
	v6 =	vmul.f32 v6, v60;
	v15 =	vld.idx.msk [tilespmem:v34+s10+$0x0], $0xffff;
	v0 =	vadd.f32 v0, v11  }
0x1ab: {  	v46 =	vld [tilespmem:$0x1FE70];
	v48 =	vmul.f32 v4, v61;
	v52 =	vmul.f32 v4, v59;
	v1 =	vsub.f32 $1.500000000e+00, v1  }
0x1ac: {  	v14 =	vadd.f32 v47, v33;
	v2 =	vmul.f32 v2, v49;
	(erf) = vrcp.f32 v0  }
0x1ad: {  	v6 =	vadd.f32 v6, v50;
	v49 =	vmul.f32 v4, v57;
	v1 =	vmul.f32 v3, v1  }
0x1ae: {  	v53 =	vadd.f32 v48, v14;
	v13 =	vmul.f32 v2, v13;
	v3 =	vadd.f32 v51, v28  }
0x1af: {  	v10 =	vadd.f32 v49, v10;
	v4 =	vmul.f32 v4, v18;
	v1 =	vmul.f32 v1, v15  }
0x1b0: {  	v55 =	vmul.f32 v2, v19;
	v12 =	vmul.f32 v2, v46;
	v3 =	vadd.f32 v52, v3  }
0x1b1: {  	v4 =	vadd.f32 v4, v6;
	v11 =	vadd.f32 v13, v53;
	v54 =	vmul.f32 v1, v35  }
0x1b2: {  	v2 =	vmul.f32 v2, v26;
	v56 =	vmul.f32 v1, v56;
	v3 =	vadd.f32 v12, v3  }
0x1b3: {  	v4 =	vadd.f32 v55, v4;
	v57 =	vmul.f32 v1, v24;
	v59 =	vadd.f32 v54, v11  }
0x1b4: {  	v2 =	vadd.f32 v2, v10;
	v1 =	vmul.f32 v1, v27;
	v3 =	vadd.f32 v56, v3  }
0x1b5: {  	vm1 =	vgt.f32 v0, $0.0e+00;
	v4 =	vadd.f32 v57, v4;
	v5 =	vadd.f32 v29, v59;
	v60 =	vpop (erf)  }
0x1b6: {  	s31 =	sshll.u32 s21, $0x6;
	s21 =	sadd.s32 $0x1, s21;
	v1 =	vadd.f32 v1, v2;
	v3 =	vadd.f32 v32, v3;
	v0 =	vnsel vm1, $0x0, v60  }
0x1b7: {  	p0 =	sne.s32 s21, $0x8;
	v61 =	vadd.f32 v8, v4;
	v63 =	vmul.f32 v0, v5  }
.Ltmp3:
0x1b8: {  	s1 =	sand.u32 $0x3FFFFFC0, s31;
	v1 =	vadd.f32 v9, v1;
	v3 =	vmul.f32 v0, v3;
	(pc) =	sbr.rel @p0 .LBB2_7-.Ltmp3, $4  }
0x1b9: {  	v2 =	vmul.f32 v0, v61;
	[tilespmem:s1+$0x1C200] =	vst v63  }
0x1ba: {  	v0 =	vmul.f32 v0, v1;
	[tilespmem:s1+$0x1C210] =	vst v3  }
0x1bb: {  	[tilespmem:s1+$0x1C220] =	vst v2  }
0x1bc: {  	s24 =	sadd.s32 $0x32, s24;
	s23 =	sadd.s32 $0xC80, s23;
	[tilespmem:s1+$0x1C230] =	vst v0  }
0x1bd: {  	s1 =	sshll.u32 s20, $0x9  }
0x1be: {  	s19 =	sadd.s32 $0x1, s19;
	s1 =	sadd.s32 s7, s1  }
0x1bf: {  	p0 =	sne.s32 s19, $0x28;
	s1 =	sshrl.u32 s1, $0x3  }
.Ltmp4:
0x1c0: {  	s1 =	sadd.s32 s2, s1;
	(pc) =	sbr.rel @p0 .LBB2_2-.Ltmp4, $4  }
0x1c1: {  	[hbm4b:s1+s3] =	stream.linear.scatter [tilespmem:s15], [sflag:$0x3], $0x200, $0x38;
	[tilespmem:$0x1C400] =	vst v63  }
0x1c2: {  	_ =	swait.ge [sflag:s9], $0x200  }
0x1c3: {  	[sflag:s9] =	ssyncset.done $0x0  }
0x1c4: {  	s18 =	sadd.s32 $0x320, s18;
	[sflag:s9] =	ssyncadd.s32 $0xFFFFFE00  }
0x1c5: {  	s17 =	sadd.s32 $0x1, s17  }
0x1c6: {  	p0 =	sne.s32 s17, s8  }
.Ltmp5:
0x1c7: {  	_ = 	snop;
	(pc) =	sbr.rel @p0 .LBB2_1-.Ltmp5, $4  }
0x1c8: {  	_ = 	snop  }
0x1c9: {  	_ =	swait.ge [sflag:s14], $0x6400  }
0x1ca: {  	[sflag:s14] =	ssyncset.done $0x0  }
0x1cb: {  	[sflag:s14] =	ssyncadd.s32 $0xFFFF9C00  }
0x1cc: {  	_ =	sfence.sel $0x180000  }
0x1cd: {  	[bflag:$0x0] =	sbarrier.arrive $0xFFFF  }
0x1ce: {  	_ =	strace $0x90000047  }
0x1cf: {  	[bflag:$0x2] =	sbarrier.arrive $0xFFFF  }
0x1d0: {  	p0 =	sne.s32 s0, $0x0;
	s0 =	rddreg [dreg:$0x2]  }
0x1d1: {  	s0 =	sadd.s32 @!p0 $0x100000, s0  }
0x1d2: {  	[sflag:s0] =	ssyncadd.tile.s32 @!p0 $0x1;
	_ =	shalt  }
.Lfunc_end2:
_tile_overlayer_lowered:
.L_overlay_start_2:
0x1d3: {  	(tag) =	ssettag $0x2  }
0x1d4: {  	s0 =	rddreg [dreg:$0x0];
	s2 =	stileid.u32  }
0x1d5: {  	s1 =	rddreg [dreg:$0x1];
	p0 =	sne.s32 s2, $0x0  }
0x1d6: {  	s3 =	rddreg [dreg:$0x2];
	[bflag:$0x3] =	sbarrier.arrive $0xFFFF;
	s2 =	simm.s32 @!p0 $0x1C03  }
0x1d7: {  	[timem:s3], [sflag:s2] =	dma.local @!p0 [hbm:s0], s1  }
0x1d8: {  	s0 =	simm.s32 @!p0 $0x3  }
0x1d9: {  	_ =	swait.ge @!p0 [sflag:s0], s1  }
0x1da: {  	s1 =	ssub.s32 @!p0 $0x0, s1;
	[sflag:s0] =	ssyncset.done @!p0 $0x0  }
0x1db: {  	[sflag:s0] =	ssyncadd.s32 @!p0 s1  }
0x1dc: {  	[bflag:$0x3] =	sbarrier.arrive $0xFFFF  }
0x1dd: {  	_ =	shalt  }

</sc_bundles>
